<compile_context>
chip_gen: v7x
topology: tpu7x:2x2x1
jax: 0.10.2.dev20260603
libtpu: 0.0.44.dev20260713+nightly
codegen_flags: <defaults>
</compile_context>

<pallas_src>
import jax
import jax.numpy as jnp
from jax import lax
from jax.experimental import pallas as pl
from jax.experimental.pallas import tpu as pltpu
from jax.experimental.pallas import tpu_sc as plsc

N = 10000
E = 320000
D = 128
NC, NS, L = 2, 16, 16
NW = NC * NS
EW = E // NW
G = 100
NG = EW // G
NP = 10240
ROWS_W = NP // NS
ZR = 128

_mesh = plsc.VectorSubcoreMesh(core_axis_name="c", subcore_axis_name="s")
_sc_params = pltpu.CompilerParams(needs_layout_passes=False)


def _zero_vmem_1d(ref, n):
    def body(i, _):
        ref[pl.ds(i * L, L)] = jnp.zeros((L,), jnp.float32)
        return 0
    lax.fori_loop(0, n // L, body, 0)


def _deg_body(ei_hbm, out_hbm, dst_v, acc_v):
    c = lax.axis_index("c")
    s = lax.axis_index("s")
    w = c * NS + s
    pltpu.sync_copy(ei_hbm.at[1, w, 0], dst_v)
    _zero_vmem_1d(acc_v, N)
    ones = jnp.ones((L,), jnp.float32)

    def body(i, _):
        for u in range(4):
            idx = dst_v[pl.ds(i * (4 * L) + u * L, L)]
            plsc.addupdate_scatter(acc_v, [idx], ones)
        return 0
    lax.fori_loop(0, EW // (4 * L), body, 0)
    pltpu.sync_copy(acc_v, out_hbm.at[w, 0])


_deg_kernel = pl.kernel(
    _deg_body,
    out_type=jax.ShapeDtypeStruct((NW, 1, N), jnp.float32),
    mesh=_mesh,
    compiler_params=_sc_params,
    scratch_types=[
        pltpu.VMEM((EW,), jnp.int32),
        pltpu.VMEM((N,), jnp.float32),
    ],
)


def _edge128_body(y_hbm, ei_hbm, out_hbm,
                  src_v, dst_v, b0, b1, acc_sh, g0, g1, s0, s1):
    c = lax.axis_index("c")
    s = lax.axis_index("s")
    w = c * NS + s
    bufs = [b0, b1]
    gsem = [g0, g1]
    ssem = [s0, s1]

    def zb(i, _):
        for k in range(D // L):
            b0[i, pl.ds(k * L, L)] = jnp.zeros((L,), jnp.float32)
        return 0
    lax.fori_loop(0, G, zb, 0)
    base = s * ROWS_W
    for j in range(6):
        pltpu.sync_copy(b0.at[pl.ds(0, 96)], acc_sh.at[pl.ds(base + j * 96, 96)])
    pltpu.sync_copy(b0.at[pl.ds(0, 64)], acc_sh.at[pl.ds(base + 576, 64)])
    plsc.subcore_barrier()

    def issue_gather(g, b):
        pltpu.async_copy(y_hbm.at[src_v.at[g]], bufs[b], gsem[b])

    def wait_gather(b):
        pltpu.make_async_copy(y_hbm.at[src_v.at[0]], bufs[b], gsem[b]).wait()

    def issue_scatter(g, b):
        pltpu.async_copy(bufs[b], acc_sh.at[dst_v.at[g]], ssem[b], add=True)

    def wait_scatter(b):
        pltpu.make_async_copy(bufs[b], acc_sh.at[dst_v.at[0]], ssem[b]).wait()

    NGH = NG // 2
    for h in range(2):
        pltpu.sync_copy(ei_hbm.at[0, w, h], src_v)
        pltpu.sync_copy(ei_hbm.at[1, w, h], dst_v)

        issue_gather(0, 0)

        def loop_body(i, _):
            for b in range(2):
                g = i * 2 + b

                @pl.when(g + 1 < NGH)
                def _():
                    @pl.when(g >= 1)
                    def _():
                        wait_scatter((b + 1) % 2)
                    issue_gather(g + 1, (b + 1) % 2)
                wait_gather(b)
                issue_scatter(g, b)
            return 0
        lax.fori_loop(0, NGH // 2, loop_body, 0)
        wait_scatter(0)
        wait_scatter(1)

    plsc.subcore_barrier()
    pltpu.sync_copy(acc_sh.at[pl.ds(s * ROWS_W, ROWS_W)],
                    out_hbm.at[c, pl.ds(s * ROWS_W, ROWS_W)])


_edge128_kernel = pl.kernel(
    _edge128_body,
    out_type=jax.ShapeDtypeStruct((NC, NP, D), jnp.float32),
    mesh=_mesh,
    compiler_params=_sc_params,
    scratch_types=[
        pltpu.VMEM((NG // 2, G), jnp.int32),
        pltpu.VMEM((NG // 2, G), jnp.int32),
        pltpu.VMEM((G, D), jnp.float32),
        pltpu.VMEM((G, D), jnp.float32),
        pltpu.VMEM_SHARED((NP, D), jnp.float32),
        pltpu.SemaphoreType.DMA,
        pltpu.SemaphoreType.DMA,
        pltpu.SemaphoreType.DMA,
        pltpu.SemaphoreType.DMA,
    ],
)


def _edge1_body(ei_hbm, t_hbm, out_hbm, src_v, dst_v, t_v, acc_v):
    c = lax.axis_index("c")
    s = lax.axis_index("s")
    w = c * NS + s
    pltpu.sync_copy(ei_hbm.at[0, w, 0], src_v)
    pltpu.sync_copy(ei_hbm.at[1, w, 0], dst_v)
    pltpu.sync_copy(t_hbm.at[0], t_v)
    _zero_vmem_1d(acc_v, N)

    def body(i, _):
        for u in range(4):
            si = src_v[pl.ds(i * (4 * L) + u * L, L)]
            di = dst_v[pl.ds(i * (4 * L) + u * L, L)]
            v = plsc.load_gather(t_v, [si])
            plsc.addupdate_scatter(acc_v, [di], v)
        return 0
    lax.fori_loop(0, EW // (4 * L), body, 0)
    pltpu.sync_copy(acc_v, out_hbm.at[w, 0])


_edge1_kernel = pl.kernel(
    _edge1_body,
    out_type=jax.ShapeDtypeStruct((NW, 1, N), jnp.float32),
    mesh=_mesh,
    compiler_params=_sc_params,
    scratch_types=[
        pltpu.VMEM((EW,), jnp.int32),
        pltpu.VMEM((EW,), jnp.int32),
        pltpu.VMEM((N,), jnp.float32),
        pltpu.VMEM((N,), jnp.float32),
    ],
)


def _mm1_body(x_ref, w_ref, cnt_ref, y_ref, dinv_ref):
    deg = jnp.sum(cnt_ref[...], axis=1, keepdims=True) + 1.0
    dinv = lax.rsqrt(deg)
    xw = jnp.dot(x_ref[...], w_ref[...], preferred_element_type=jnp.float32)
    y_ref[...] = xw * dinv
    dinv_ref[...] = dinv


def _mm1(x, W1, cntT):
    return pl.pallas_call(
        _mm1_body,
        out_shape=[
            jax.ShapeDtypeStruct((N, D), jnp.float32),
            jax.ShapeDtypeStruct((N, 1), jnp.float32),
        ],
    )(x, W1, cntT)


def _mid_body(acc_ref, y_ref, dinv_ref, b1_ref, w2_ref, t_ref):
    dinv = dinv_ref[...]
    h = dinv * (acc_ref[0, :N] + acc_ref[1, :N] + y_ref[...]) + b1_ref[...]
    h = jnp.maximum(h, 0.0) * dinv
    t_ref[...] = lax.dot_general(
        w2_ref[...], h, (((1,), (1,)), ((), ())),
        preferred_element_type=jnp.float32)


def _mid(acc, y, dinv, b1r, w2r):
    return pl.pallas_call(
        _mid_body,
        out_shape=jax.ShapeDtypeStruct((1, N), jnp.float32),
    )(acc, y, dinv, b1r, w2r)


def _fin_body(p_ref, t_ref, cnt_ref, b2_ref, o_ref):
    acc2 = jnp.sum(p_ref[...], axis=0, keepdims=True)
    deg = jnp.sum(cnt_ref[...], axis=0, keepdims=True) + 1.0
    dinv = lax.rsqrt(deg)
    o_ref[...] = dinv * (acc2 + t_ref[...]) + b2_ref[...]


def _fin(p, t, cnt, b2r):
    return pl.pallas_call(
        _fin_body,
        out_shape=jax.ShapeDtypeStruct((1, N), jnp.float32),
    )(p, t, cnt, b2r)


def kernel(x, edge_index, W1, b1, W2, b2):
    ei = edge_index.astype(jnp.int32)
    ei4 = ei.reshape(2, NW, 2, NG // 2, G)

    ei3 = ei.reshape(2, NW, 1, EW)
    cnt = _deg_kernel(ei3).reshape(NW, N)
    y, dinv = _mm1(x, W1, cnt.T)
    acc = _edge128_kernel(y, ei4)
    t = _mid(acc, y, dinv,
             b1.reshape(1, D), W2.reshape(1, D))
    p = _edge1_kernel(ei3, t).reshape(NW, N)
    out = _fin(p, t, cnt, b2.reshape(1, 1))
    return out.reshape(N)

# --- scband reference (transcript-rebuilt; emitter-appended) ---
"""Pipeline reference for scband-gnnre-ranker-27419071217926 (READ-ONLY COPY).

The authoritative reference and input builder live on the scoring server;
editing this copy changes nothing except your own understanding.
"""

import jax, jax.numpy as jnp
import numpy as np

N_NODES = 10000


def gcn_conv(x, edge_index, W, b):
    # Faithful PyG GCNConv: x' = D^{-1/2} (A + I) D^{-1/2} (X W) + b
    N = x.shape[0]
    src = jnp.concatenate([edge_index[0], jnp.arange(N, dtype=edge_index.dtype)])
    dst = jnp.concatenate([edge_index[1], jnp.arange(N, dtype=edge_index.dtype)])
    xw = x @ W
    ew = jnp.ones(src.shape[0], dtype=x.dtype)
    deg = jnp.zeros(N, dtype=x.dtype).at[dst].add(ew)
    dinv = jnp.where(deg > 0, 1.0 / jnp.sqrt(deg), 0.0)
    norm = dinv[src] * dinv[dst]
    msg = norm[:, None] * xw[src]
    out = jnp.zeros((N, xw.shape[1]), dtype=x.dtype).at[dst].add(msg)
    return out + b


def setup_inputs(seed: int = 0) -> dict:
    key = jax.random.key(seed)
    k1, k2, k3, k4, k5 = jax.random.split(key, 5)
    in_dim, hid = 128, 128
    x = jax.random.normal(k1, (N_NODES, in_dim), dtype=jnp.float32)
    edge_index = jax.random.randint(k2, (2, 320000), 0, N_NODES, dtype=jnp.int64)
    # Glorot-style init for GCN linear weights (bias zeros like PyG default)
    W1 = jax.random.normal(k3, (in_dim, hid), dtype=jnp.float32) * (1.0 / np.sqrt(in_dim))
    b1 = jnp.zeros((hid,), dtype=jnp.float32)
    W2 = jax.random.normal(k4, (hid, 1), dtype=jnp.float32) * (1.0 / np.sqrt(hid))
    b2 = jnp.zeros((1,), dtype=jnp.float32)
    return {"x": x, "edge_index": edge_index, "W1": W1, "b1": b1, "W2": W2, "b2": b2}


def reference(x, edge_index, W1, b1, W2, b2):
    h = gcn_conv(x, edge_index, W1, b1)
    h = jax.nn.relu(h)
    out = gcn_conv(h, edge_index, W2, b2)
    return out.squeeze()

if __name__ == "__main__":
    import jax
    _d = setup_inputs()
    print(jax.jit(kernel)(*tuple(_d.values())))

</pallas_src>

<mosaic_0001>
#map = affine_map<(d0, d1) -> (0, 0, 0, 0)>
#map1 = affine_map<(d0, d1) -> (0, 0, 0)>
module attributes {stable_mosaic.version = 14 : i64} {
  func.func @_deg_body(%arg0: i32, %arg1: i32, %arg2: memref<2x32x1x10000xi32, #tpu.memory_space<hbm>>, %arg3: memref<32x1x10000xf32, #tpu.memory_space<hbm>>, %arg4: memref<10000xi32, #tpu.memory_space<vmem>>, %arg5: memref<10000xf32, #tpu.memory_space<vmem>>) attributes {dimension_semantics = [#tpu.dimension_semantics<core_parallel>, #tpu.dimension_semantics<subcore_parallel>], iteration_bounds = array<i64: 2, 16>, scalar_prefetch = 0 : i64, scratch_operands = 2 : i64, tpu.core_type = #tpu.core_type<sc_vector_subcore>, window_params = [{transform_indices = #map}, {transform_indices = #map1}]} {
    %mul3A = arith.constant 16 : i32
    %mul3A_0 = arith.muli %arg0, %mul3A : i32
    %add3A = arith.addi %mul3A_0, %arg1 : i32
    %run_scoped3A = arith.constant 1 : i32
    %run_scoped3A_1 = arith.constant 0 : i32
    "tpu.region"() ({
      %run_scoped3A_17 = tpu.sem_alloc : memref<!tpu.dma_semaphore, #tpu.memory_space<semaphore_mem>>
      %dma_start3A = arith.constant 0 : i32
      %dma_start3A_18 = tpu.memref_slice %arg2[%run_scoped3A, %add3A, %run_scoped3A_1, %dma_start3A] : memref<2x32x1x10000xi32, #tpu.memory_space<hbm>> -> memref<1x1x1x10000xi32, #tpu.memory_space<hbm>>
      %dma_start3A_19 = tpu.memref_squeeze %dma_start3A_18 : memref<1x1x1x10000xi32, #tpu.memory_space<hbm>> -> memref<10000xi32, #tpu.memory_space<hbm>>
      %dma_start3A_20 = arith.constant 0 : i32
      %dma_start3A_21 = tpu.memref_slice %arg2[%run_scoped3A, %add3A, %run_scoped3A_1, %dma_start3A_20] : memref<2x32x1x10000xi32, #tpu.memory_space<hbm>> -> memref<1x1x1x10000xi32, #tpu.memory_space<hbm>>
      %dma_start3A_22 = tpu.memref_squeeze %dma_start3A_21 : memref<1x1x1x10000xi32, #tpu.memory_space<hbm>> -> memref<10000xi32, #tpu.memory_space<hbm>>
      tpu.enqueue_dma source(%dma_start3A_22 : memref<10000xi32, #tpu.memory_space<hbm>>) target(%arg4 : memref<10000xi32, #tpu.memory_space<vmem>>) target_semaphore(%run_scoped3A_17 : memref<!tpu.dma_semaphore, #tpu.memory_space<semaphore_mem>>)
      %dma_wait3A = arith.constant 0 : i32
      %dma_wait3A_23 = tpu.memref_slice %arg2[%run_scoped3A, %add3A, %run_scoped3A_1, %dma_wait3A] : memref<2x32x1x10000xi32, #tpu.memory_space<hbm>> -> memref<1x1x1x10000xi32, #tpu.memory_space<hbm>>
      %dma_wait3A_24 = tpu.memref_squeeze %dma_wait3A_23 : memref<1x1x1x10000xi32, #tpu.memory_space<hbm>> -> memref<10000xi32, #tpu.memory_space<hbm>>
      %dma_wait3A_25 = arith.constant 0 : i32
      %dma_wait3A_26 = tpu.memref_slice %arg2[%run_scoped3A, %add3A, %run_scoped3A_1, %dma_wait3A_25] : memref<2x32x1x10000xi32, #tpu.memory_space<hbm>> -> memref<1x1x1x10000xi32, #tpu.memory_space<hbm>>
      %dma_wait3A_27 = tpu.memref_squeeze %dma_wait3A_26 : memref<1x1x1x10000xi32, #tpu.memory_space<hbm>> -> memref<10000xi32, #tpu.memory_space<hbm>>
      tpu.wait_dma2 semaphore(%run_scoped3A_17 : memref<!tpu.dma_semaphore, #tpu.memory_space<semaphore_mem>>) src(%dma_wait3A_27 : memref<10000xi32, #tpu.memory_space<hbm>>) dst(%arg4 : memref<10000xi32, #tpu.memory_space<vmem>>)
      tpu.yield
    }) : () -> ()
    %scan3A = arith.constant 0 : i32
    %scan3A_2 = arith.constant 0 : i32
    %scan3A_3 = arith.constant 625 : i32
    %scan3A_4 = arith.addi %scan3A_2, %scan3A_3 : i32
    %scan3A_5 = arith.constant 1 : i32
    %scan3A_6 = scf.for %scan3A_17 = %scan3A_2 to %scan3A_4 step %scan3A_5 iter_args(%scan3A_18 = %scan3A) -> (i32)  : i32 {
      %broadcast_in_dim3A_19 = arith.constant 0.000000e+00 : f32
      %broadcast_in_dim3A_20 = vector.broadcast %broadcast_in_dim3A_19 : f32 to vector<16xf32>
      %mul3A_21 = arith.constant 16 : i32
      %mul3A_22 = arith.muli %scan3A_17, %mul3A_21 : i32
      %swap3A = arith.index_cast %mul3A_22 : i32 to index
      %swap3A_23 = tpu.vector_load %arg5[%swap3A] {strides = array<i32>} : memref<10000xf32, #tpu.memory_space<vmem>>, vector<16xf32>,
      tpu.vector_store %arg5[%swap3A], %broadcast_in_dim3A_20 {strides = array<i32>} : memref<10000xf32, #tpu.memory_space<vmem>>, vector<16xf32>,
      %scan3A_24 = arith.constant 0 : i32
      scf.yield %scan3A_24 : i32
    }
    %scan3A_7 = arith.constant 625 : i32
    %broadcast_in_dim3A = arith.constant 1.000000e+00 : f32
    %broadcast_in_dim3A_8 = vector.broadcast %broadcast_in_dim3A : f32 to vector<16xf32>
    %scan3A_9 = arith.constant 0 : i32
    %scan3A_10 = arith.constant 0 : i32
    %scan3A_11 = arith.constant 156 : i32
    %scan3A_12 = arith.addi %scan3A_10, %scan3A_11 : i32
    %scan3A_13 = arith.constant 1 : i32
    %scan3A_14 = scf.for %scan3A_17 = %scan3A_10 to %scan3A_12 step %scan3A_13 iter_args(%scan3A_18 = %scan3A_9) -> (i32)  : i32 {
      %mul3A_19 = arith.constant 64 : i32
      %mul3A_20 = arith.muli %scan3A_17, %mul3A_19 : i32
      %add3A_21 = arith.constant 0 : i32
      %add3A_22 = arith.addi %mul3A_20, %add3A_21 : i32
      %get3A = arith.index_cast %add3A_22 : i32 to index
      %get3A_23 = tpu.vector_load %arg4[%get3A] {strides = array<i32>} : memref<10000xi32, #tpu.memory_space<vmem>>, vector<16xi32>,
      tpu.vector_store_idx %arg5[%get3A_23], %broadcast_in_dim3A_8 {add = true} : memref<10000xf32, #tpu.memory_space<vmem>>[vector<16xi32>], vector<16xf32>,
      %mul3A_24 = arith.constant 64 : i32
      %mul3A_25 = arith.muli %scan3A_17, %mul3A_24 : i32
      %add3A_26 = arith.constant 16 : i32
      %add3A_27 = arith.addi %mul3A_25, %add3A_26 : i32
      %get3A_28 = arith.index_cast %add3A_27 : i32 to index
      %get3A_29 = tpu.vector_load %arg4[%get3A_28] {strides = array<i32>} : memref<10000xi32, #tpu.memory_space<vmem>>, vector<16xi32>,
      tpu.vector_store_idx %arg5[%get3A_29], %broadcast_in_dim3A_8 {add = true} : memref<10000xf32, #tpu.memory_space<vmem>>[vector<16xi32>], vector<16xf32>,
      %mul3A_30 = arith.constant 64 : i32
      %mul3A_31 = arith.muli %scan3A_17, %mul3A_30 : i32
      %add3A_32 = arith.constant 32 : i32
      %add3A_33 = arith.addi %mul3A_31, %add3A_32 : i32
      %get3A_34 = arith.index_cast %add3A_33 : i32 to index
      %get3A_35 = tpu.vector_load %arg4[%get3A_34] {strides = array<i32>} : memref<10000xi32, #tpu.memory_space<vmem>>, vector<16xi32>,
      tpu.vector_store_idx %arg5[%get3A_35], %broadcast_in_dim3A_8 {add = true} : memref<10000xf32, #tpu.memory_space<vmem>>[vector<16xi32>], vector<16xf32>,
      %mul3A_36 = arith.constant 64 : i32
      %mul3A_37 = arith.muli %scan3A_17, %mul3A_36 : i32
      %add3A_38 = arith.constant 48 : i32
      %add3A_39 = arith.addi %mul3A_37, %add3A_38 : i32
      %get3A_40 = arith.index_cast %add3A_39 : i32 to index
      %get3A_41 = tpu.vector_load %arg4[%get3A_40] {strides = array<i32>} : memref<10000xi32, #tpu.memory_space<vmem>>, vector<16xi32>,
      tpu.vector_store_idx %arg5[%get3A_41], %broadcast_in_dim3A_8 {add = true} : memref<10000xf32, #tpu.memory_space<vmem>>[vector<16xi32>], vector<16xf32>,
      %scan3A_42 = arith.constant 0 : i32
      scf.yield %scan3A_42 : i32
    }
    %scan3A_15 = arith.constant 156 : i32
    %run_scoped3A_16 = arith.constant 0 : i32
    "tpu.region"() ({
      %run_scoped3A_17 = tpu.sem_alloc : memref<!tpu.dma_semaphore, #tpu.memory_space<semaphore_mem>>
      %dma_start3A = arith.constant 0 : i32
      %dma_start3A_18 = tpu.memref_slice %arg3[%add3A, %run_scoped3A_16, %dma_start3A] : memref<32x1x10000xf32, #tpu.memory_space<hbm>> -> memref<1x1x10000xf32, #tpu.memory_space<hbm>>
      %dma_start3A_19 = tpu.memref_squeeze %dma_start3A_18 : memref<1x1x10000xf32, #tpu.memory_space<hbm>> -> memref<10000xf32, #tpu.memory_space<hbm>>
      %dma_start3A_20 = arith.constant 0 : i32
      %dma_start3A_21 = tpu.memref_slice %arg3[%add3A, %run_scoped3A_16, %dma_start3A_20] : memref<32x1x10000xf32, #tpu.memory_space<hbm>> -> memref<1x1x10000xf32, #tpu.memory_space<hbm>>
      %dma_start3A_22 = tpu.memref_squeeze %dma_start3A_21 : memref<1x1x10000xf32, #tpu.memory_space<hbm>> -> memref<10000xf32, #tpu.memory_space<hbm>>
      tpu.enqueue_dma source(%arg5 : memref<10000xf32, #tpu.memory_space<vmem>>) target(%dma_start3A_22 : memref<10000xf32, #tpu.memory_space<hbm>>) target_semaphore(%run_scoped3A_17 : memref<!tpu.dma_semaphore, #tpu.memory_space<semaphore_mem>>)
      %dma_wait3A = arith.constant 0 : i32
      %dma_wait3A_23 = tpu.memref_slice %arg3[%add3A, %run_scoped3A_16, %dma_wait3A] : memref<32x1x10000xf32, #tpu.memory_space<hbm>> -> memref<1x1x10000xf32, #tpu.memory_space<hbm>>
      %dma_wait3A_24 = tpu.memref_squeeze %dma_wait3A_23 : memref<1x1x10000xf32, #tpu.memory_space<hbm>> -> memref<10000xf32, #tpu.memory_space<hbm>>
      %dma_wait3A_25 = arith.constant 0 : i32
      %dma_wait3A_26 = tpu.memref_slice %arg3[%add3A, %run_scoped3A_16, %dma_wait3A_25] : memref<32x1x10000xf32, #tpu.memory_space<hbm>> -> memref<1x1x10000xf32, #tpu.memory_space<hbm>>
      %dma_wait3A_27 = tpu.memref_squeeze %dma_wait3A_26 : memref<1x1x10000xf32, #tpu.memory_space<hbm>> -> memref<10000xf32, #tpu.memory_space<hbm>>
      tpu.wait_dma2 semaphore(%run_scoped3A_17 : memref<!tpu.dma_semaphore, #tpu.memory_space<semaphore_mem>>) src(%arg5 : memref<10000xf32, #tpu.memory_space<vmem>>) dst(%dma_wait3A_27 : memref<10000xf32, #tpu.memory_space<hbm>>)
      tpu.yield
    }) : () -> ()
    return
  }
}

#map = affine_map<(d0, d1) -> (0, 0, 0, 0)>
#map1 = affine_map<(d0, d1) -> (0, 0)>
#map2 = affine_map<(d0, d1) -> (0, 0, 0)>
module attributes {stable_mosaic.version = 14 : i64} {
  func.func @_edge1_body(%arg0: i32, %arg1: i32, %arg2: memref<2x32x1x10000xi32, #tpu.memory_space<hbm>>, %arg3: memref<1x10000xf32, #tpu.memory_space<hbm>>, %arg4: memref<32x1x10000xf32, #tpu.memory_space<hbm>>, %arg5: memref<10000xi32, #tpu.memory_space<vmem>>, %arg6: memref<10000xi32, #tpu.memory_space<vmem>>, %arg7: memref<10000xf32, #tpu.memory_space<vmem>>, %arg8: memref<10000xf32, #tpu.memory_space<vmem>>) attributes {dimension_semantics = [#tpu.dimension_semantics<core_parallel>, #tpu.dimension_semantics<subcore_parallel>], iteration_bounds = array<i64: 2, 16>, scalar_prefetch = 0 : i64, scratch_operands = 4 : i64, tpu.core_type = #tpu.core_type<sc_vector_subcore>, window_params = [{transform_indices = #map}, {transform_indices = #map1}, {transform_indices = #map2}]} {
    %mul3A = arith.constant 16 : i32
    %mul3A_0 = arith.muli %arg0, %mul3A : i32
    %add3A = arith.addi %mul3A_0, %arg1 : i32
    %run_scoped3A = arith.constant 0 : i32
    %run_scoped3A_1 = arith.constant 0 : i32
    "tpu.region"() ({
      %run_scoped3A_19 = tpu.sem_alloc : memref<!tpu.dma_semaphore, #tpu.memory_space<semaphore_mem>>
      %dma_start3A = arith.constant 0 : i32
      %dma_start3A_20 = tpu.memref_slice %arg2[%run_scoped3A, %add3A, %run_scoped3A_1, %dma_start3A] : memref<2x32x1x10000xi32, #tpu.memory_space<hbm>> -> memref<1x1x1x10000xi32, #tpu.memory_space<hbm>>
      %dma_start3A_21 = tpu.memref_squeeze %dma_start3A_20 : memref<1x1x1x10000xi32, #tpu.memory_space<hbm>> -> memref<10000xi32, #tpu.memory_space<hbm>>
      %dma_start3A_22 = arith.constant 0 : i32
      %dma_start3A_23 = tpu.memref_slice %arg2[%run_scoped3A, %add3A, %run_scoped3A_1, %dma_start3A_22] : memref<2x32x1x10000xi32, #tpu.memory_space<hbm>> -> memref<1x1x1x10000xi32, #tpu.memory_space<hbm>>
      %dma_start3A_24 = tpu.memref_squeeze %dma_start3A_23 : memref<1x1x1x10000xi32, #tpu.memory_space<hbm>> -> memref<10000xi32, #tpu.memory_space<hbm>>
      tpu.enqueue_dma source(%dma_start3A_24 : memref<10000xi32, #tpu.memory_space<hbm>>) target(%arg5 : memref<10000xi32, #tpu.memory_space<vmem>>) target_semaphore(%run_scoped3A_19 : memref<!tpu.dma_semaphore, #tpu.memory_space<semaphore_mem>>)
      %dma_wait3A = arith.constant 0 : i32
      %dma_wait3A_25 = tpu.memref_slice %arg2[%run_scoped3A, %add3A, %run_scoped3A_1, %dma_wait3A] : memref<2x32x1x10000xi32, #tpu.memory_space<hbm>> -> memref<1x1x1x10000xi32, #tpu.memory_space<hbm>>
      %dma_wait3A_26 = tpu.memref_squeeze %dma_wait3A_25 : memref<1x1x1x10000xi32, #tpu.memory_space<hbm>> -> memref<10000xi32, #tpu.memory_space<hbm>>
      %dma_wait3A_27 = arith.constant 0 : i32
      %dma_wait3A_28 = tpu.memref_slice %arg2[%run_scoped3A, %add3A, %run_scoped3A_1, %dma_wait3A_27] : memref<2x32x1x10000xi32, #tpu.memory_space<hbm>> -> memref<1x1x1x10000xi32, #tpu.memory_space<hbm>>
      %dma_wait3A_29 = tpu.memref_squeeze %dma_wait3A_28 : memref<1x1x1x10000xi32, #tpu.memory_space<hbm>> -> memref<10000xi32, #tpu.memory_space<hbm>>
      tpu.wait_dma2 semaphore(%run_scoped3A_19 : memref<!tpu.dma_semaphore, #tpu.memory_space<semaphore_mem>>) src(%dma_wait3A_29 : memref<10000xi32, #tpu.memory_space<hbm>>) dst(%arg5 : memref<10000xi32, #tpu.memory_space<vmem>>)
      tpu.yield
    }) : () -> ()
    %run_scoped3A_2 = arith.constant 1 : i32
    %run_scoped3A_3 = arith.constant 0 : i32
    "tpu.region"() ({
      %run_scoped3A_19 = tpu.sem_alloc : memref<!tpu.dma_semaphore, #tpu.memory_space<semaphore_mem>>
      %dma_start3A = arith.constant 0 : i32
      %dma_start3A_20 = tpu.memref_slice %arg2[%run_scoped3A_2, %add3A, %run_scoped3A_3, %dma_start3A] : memref<2x32x1x10000xi32, #tpu.memory_space<hbm>> -> memref<1x1x1x10000xi32, #tpu.memory_space<hbm>>
      %dma_start3A_21 = tpu.memref_squeeze %dma_start3A_20 : memref<1x1x1x10000xi32, #tpu.memory_space<hbm>> -> memref<10000xi32, #tpu.memory_space<hbm>>
      %dma_start3A_22 = arith.constant 0 : i32
      %dma_start3A_23 = tpu.memref_slice %arg2[%run_scoped3A_2, %add3A, %run_scoped3A_3, %dma_start3A_22] : memref<2x32x1x10000xi32, #tpu.memory_space<hbm>> -> memref<1x1x1x10000xi32, #tpu.memory_space<hbm>>
      %dma_start3A_24 = tpu.memref_squeeze %dma_start3A_23 : memref<1x1x1x10000xi32, #tpu.memory_space<hbm>> -> memref<10000xi32, #tpu.memory_space<hbm>>
      tpu.enqueue_dma source(%dma_start3A_24 : memref<10000xi32, #tpu.memory_space<hbm>>) target(%arg6 : memref<10000xi32, #tpu.memory_space<vmem>>) target_semaphore(%run_scoped3A_19 : memref<!tpu.dma_semaphore, #tpu.memory_space<semaphore_mem>>)
      %dma_wait3A = arith.constant 0 : i32
      %dma_wait3A_25 = tpu.memref_slice %arg2[%run_scoped3A_2, %add3A, %run_scoped3A_3, %dma_wait3A] : memref<2x32x1x10000xi32, #tpu.memory_space<hbm>> -> memref<1x1x1x10000xi32, #tpu.memory_space<hbm>>
      %dma_wait3A_26 = tpu.memref_squeeze %dma_wait3A_25 : memref<1x1x1x10000xi32, #tpu.memory_space<hbm>> -> memref<10000xi32, #tpu.memory_space<hbm>>
      %dma_wait3A_27 = arith.constant 0 : i32
      %dma_wait3A_28 = tpu.memref_slice %arg2[%run_scoped3A_2, %add3A, %run_scoped3A_3, %dma_wait3A_27] : memref<2x32x1x10000xi32, #tpu.memory_space<hbm>> -> memref<1x1x1x10000xi32, #tpu.memory_space<hbm>>
      %dma_wait3A_29 = tpu.memref_squeeze %dma_wait3A_28 : memref<1x1x1x10000xi32, #tpu.memory_space<hbm>> -> memref<10000xi32, #tpu.memory_space<hbm>>
      tpu.wait_dma2 semaphore(%run_scoped3A_19 : memref<!tpu.dma_semaphore, #tpu.memory_space<semaphore_mem>>) src(%dma_wait3A_29 : memref<10000xi32, #tpu.memory_space<hbm>>) dst(%arg6 : memref<10000xi32, #tpu.memory_space<vmem>>)
      tpu.yield
    }) : () -> ()
    %run_scoped3A_4 = arith.constant 0 : i32
    "tpu.region"() ({
      %run_scoped3A_19 = tpu.sem_alloc : memref<!tpu.dma_semaphore, #tpu.memory_space<semaphore_mem>>
      %dma_start3A = arith.constant 0 : i32
      %dma_start3A_20 = tpu.memref_slice %arg3[%run_scoped3A_4, %dma_start3A] : memref<1x10000xf32, #tpu.memory_space<hbm>> -> memref<1x10000xf32, #tpu.memory_space<hbm>>
      %dma_start3A_21 = tpu.memref_squeeze %dma_start3A_20 : memref<1x10000xf32, #tpu.memory_space<hbm>> -> memref<10000xf32, #tpu.memory_space<hbm>>
      %dma_start3A_22 = arith.constant 0 : i32
      %dma_start3A_23 = tpu.memref_slice %arg3[%run_scoped3A_4, %dma_start3A_22] : memref<1x10000xf32, #tpu.memory_space<hbm>> -> memref<1x10000xf32, #tpu.memory_space<hbm>>
      %dma_start3A_24 = tpu.memref_squeeze %dma_start3A_23 : memref<1x10000xf32, #tpu.memory_space<hbm>> -> memref<10000xf32, #tpu.memory_space<hbm>>
      tpu.enqueue_dma source(%dma_start3A_24 : memref<10000xf32, #tpu.memory_space<hbm>>) target(%arg7 : memref<10000xf32, #tpu.memory_space<vmem>>) target_semaphore(%run_scoped3A_19 : memref<!tpu.dma_semaphore, #tpu.memory_space<semaphore_mem>>)
      %dma_wait3A = arith.constant 0 : i32
      %dma_wait3A_25 = tpu.memref_slice %arg3[%run_scoped3A_4, %dma_wait3A] : memref<1x10000xf32, #tpu.memory_space<hbm>> -> memref<1x10000xf32, #tpu.memory_space<hbm>>
      %dma_wait3A_26 = tpu.memref_squeeze %dma_wait3A_25 : memref<1x10000xf32, #tpu.memory_space<hbm>> -> memref<10000xf32, #tpu.memory_space<hbm>>
      %dma_wait3A_27 = arith.constant 0 : i32
      %dma_wait3A_28 = tpu.memref_slice %arg3[%run_scoped3A_4, %dma_wait3A_27] : memref<1x10000xf32, #tpu.memory_space<hbm>> -> memref<1x10000xf32, #tpu.memory_space<hbm>>
      %dma_wait3A_29 = tpu.memref_squeeze %dma_wait3A_28 : memref<1x10000xf32, #tpu.memory_space<hbm>> -> memref<10000xf32, #tpu.memory_space<hbm>>
      tpu.wait_dma2 semaphore(%run_scoped3A_19 : memref<!tpu.dma_semaphore, #tpu.memory_space<semaphore_mem>>) src(%dma_wait3A_29 : memref<10000xf32, #tpu.memory_space<hbm>>) dst(%arg7 : memref<10000xf32, #tpu.memory_space<vmem>>)
      tpu.yield
    }) : () -> ()
    %scan3A = arith.constant 0 : i32
    %scan3A_5 = arith.constant 0 : i32
    %scan3A_6 = arith.constant 625 : i32
    %scan3A_7 = arith.addi %scan3A_5, %scan3A_6 : i32
    %scan3A_8 = arith.constant 1 : i32
    %scan3A_9 = scf.for %scan3A_19 = %scan3A_5 to %scan3A_7 step %scan3A_8 iter_args(%scan3A_20 = %scan3A) -> (i32)  : i32 {
      %broadcast_in_dim3A = arith.constant 0.000000e+00 : f32
      %broadcast_in_dim3A_21 = vector.broadcast %broadcast_in_dim3A : f32 to vector<16xf32>
      %mul3A_22 = arith.constant 16 : i32
      %mul3A_23 = arith.muli %scan3A_19, %mul3A_22 : i32
      %swap3A = arith.index_cast %mul3A_23 : i32 to index
      %swap3A_24 = tpu.vector_load %arg8[%swap3A] {strides = array<i32>} : memref<10000xf32, #tpu.memory_space<vmem>>, vector<16xf32>,
      tpu.vector_store %arg8[%swap3A], %broadcast_in_dim3A_21 {strides = array<i32>} : memref<10000xf32, #tpu.memory_space<vmem>>, vector<16xf32>,
      %scan3A_25 = arith.constant 0 : i32
      scf.yield %scan3A_25 : i32
    }
    %scan3A_10 = arith.constant 625 : i32
    %scan3A_11 = arith.constant 0 : i32
    %scan3A_12 = arith.constant 0 : i32
    %scan3A_13 = arith.constant 156 : i32
    %scan3A_14 = arith.addi %scan3A_12, %scan3A_13 : i32
    %scan3A_15 = arith.constant 1 : i32
    %scan3A_16 = scf.for %scan3A_19 = %scan3A_12 to %scan3A_14 step %scan3A_15 iter_args(%scan3A_20 = %scan3A_11) -> (i32)  : i32 {
      %mul3A_21 = arith.constant 64 : i32
      %mul3A_22 = arith.muli %scan3A_19, %mul3A_21 : i32
      %add3A_23 = arith.constant 0 : i32
      %add3A_24 = arith.addi %mul3A_22, %add3A_23 : i32
      %get3A = arith.index_cast %add3A_24 : i32 to index
      %get3A_25 = tpu.vector_load %arg5[%get3A] {strides = array<i32>} : memref<10000xi32, #tpu.memory_space<vmem>>, vector<16xi32>,
      %mul3A_26 = arith.constant 64 : i32
      %mul3A_27 = arith.muli %scan3A_19, %mul3A_26 : i32
      %add3A_28 = arith.constant 0 : i32
      %add3A_29 = arith.addi %mul3A_27, %add3A_28 : i32
      %get3A_30 = arith.index_cast %add3A_29 : i32 to index
      %get3A_31 = tpu.vector_load %arg6[%get3A_30] {strides = array<i32>} : memref<10000xi32, #tpu.memory_space<vmem>>, vector<16xi32>,
      %gather3A = tpu.vector_load_idx %arg7[%get3A_25] : memref<10000xf32, #tpu.memory_space<vmem>>[vector<16xi32>], vector<16xf32>,
      tpu.vector_store_idx %arg8[%get3A_31], %gather3A {add = true} : memref<10000xf32, #tpu.memory_space<vmem>>[vector<16xi32>], vector<16xf32>,
      %mul3A_32 = arith.constant 64 : i32
      %mul3A_33 = arith.muli %scan3A_19, %mul3A_32 : i32
      %add3A_34 = arith.constant 16 : i32
      %add3A_35 = arith.addi %mul3A_33, %add3A_34 : i32
      %get3A_36 = arith.index_cast %add3A_35 : i32 to index
      %get3A_37 = tpu.vector_load %arg5[%get3A_36] {strides = array<i32>} : memref<10000xi32, #tpu.memory_space<vmem>>, vector<16xi32>,
      %mul3A_38 = arith.constant 64 : i32
      %mul3A_39 = arith.muli %scan3A_19, %mul3A_38 : i32
      %add3A_40 = arith.constant 16 : i32
      %add3A_41 = arith.addi %mul3A_39, %add3A_40 : i32
      %get3A_42 = arith.index_cast %add3A_41 : i32 to index
      %get3A_43 = tpu.vector_load %arg6[%get3A_42] {strides = array<i32>} : memref<10000xi32, #tpu.memory_space<vmem>>, vector<16xi32>,
      %gather3A_44 = tpu.vector_load_idx %arg7[%get3A_37] : memref<10000xf32, #tpu.memory_space<vmem>>[vector<16xi32>], vector<16xf32>,
      tpu.vector_store_idx %arg8[%get3A_43], %gather3A_44 {add = true} : memref<10000xf32, #tpu.memory_space<vmem>>[vector<16xi32>], vector<16xf32>,
      %mul3A_45 = arith.constant 64 : i32
      %mul3A_46 = arith.muli %scan3A_19, %mul3A_45 : i32
      %add3A_47 = arith.constant 32 : i32
      %add3A_48 = arith.addi %mul3A_46, %add3A_47 : i32
      %get3A_49 = arith.index_cast %add3A_48 : i32 to index
      %get3A_50 = tpu.vector_load %arg5[%get3A_49] {strides = array<i32>} : memref<10000xi32, #tpu.memory_space<vmem>>, vector<16xi32>,
      %mul3A_51 = arith.constant 64 : i32
      %mul3A_52 = arith.muli %scan3A_19, %mul3A_51 : i32
      %add3A_53 = arith.constant 32 : i32
      %add3A_54 = arith.addi %mul3A_52, %add3A_53 : i32
      %get3A_55 = arith.index_cast %add3A_54 : i32 to index
      %get3A_56 = tpu.vector_load %arg6[%get3A_55] {strides = array<i32>} : memref<10000xi32, #tpu.memory_space<vmem>>, vector<16xi32>,
      %gather3A_57 = tpu.vector_load_idx %arg7[%get3A_50] : memref<10000xf32, #tpu.memory_space<vmem>>[vector<16xi32>], vector<16xf32>,
      tpu.vector_store_idx %arg8[%get3A_56], %gather3A_57 {add = true} : memref<10000xf32, #tpu.memory_space<vmem>>[vector<16xi32>], vector<16xf32>,
      %mul3A_58 = arith.constant 64 : i32
      %mul3A_59 = arith.muli %scan3A_19, %mul3A_58 : i32
      %add3A_60 = arith.constant 48 : i32
      %add3A_61 = arith.addi %mul3A_59, %add3A_60 : i32
      %get3A_62 = arith.index_cast %add3A_61 : i32 to index
      %get3A_63 = tpu.vector_load %arg5[%get3A_62] {strides = array<i32>} : memref<10000xi32, #tpu.memory_space<vmem>>, vector<16xi32>,
      %mul3A_64 = arith.constant 64 : i32
      %mul3A_65 = arith.muli %scan3A_19, %mul3A_64 : i32
      %add3A_66 = arith.constant 48 : i32
      %add3A_67 = arith.addi %mul3A_65, %add3A_66 : i32
      %get3A_68 = arith.index_cast %add3A_67 : i32 to index
      %get3A_69 = tpu.vector_load %arg6[%get3A_68] {strides = array<i32>} : memref<10000xi32, #tpu.memory_space<vmem>>, vector<16xi32>,
      %gather3A_70 = tpu.vector_load_idx %arg7[%get3A_63] : memref<10000xf32, #tpu.memory_space<vmem>>[vector<16xi32>], vector<16xf32>,
      tpu.vector_store_idx %arg8[%get3A_69], %gather3A_70 {add = true} : memref<10000xf32, #tpu.memory_space<vmem>>[vector<16xi32>], vector<16xf32>,
      %scan3A_71 = arith.constant 0 : i32
      scf.yield %scan3A_71 : i32
    }
    %scan3A_17 = arith.constant 156 : i32
    %run_scoped3A_18 = arith.constant 0 : i32
    "tpu.region"() ({
      %run_scoped3A_19 = tpu.sem_alloc : memref<!tpu.dma_semaphore, #tpu.memory_space<semaphore_mem>>
      %dma_start3A = arith.constant 0 : i32
      %dma_start3A_20 = tpu.memref_slice %arg4[%add3A, %run_scoped3A_18, %dma_start3A] : memref<32x1x10000xf32, #tpu.memory_space<hbm>> -> memref<1x1x10000xf32, #tpu.memory_space<hbm>>
      %dma_start3A_21 = tpu.memref_squeeze %dma_start3A_20 : memref<1x1x10000xf32, #tpu.memory_space<hbm>> -> memref<10000xf32, #tpu.memory_space<hbm>>
      %dma_start3A_22 = arith.constant 0 : i32
      %dma_start3A_23 = tpu.memref_slice %arg4[%add3A, %run_scoped3A_18, %dma_start3A_22] : memref<32x1x10000xf32, #tpu.memory_space<hbm>> -> memref<1x1x10000xf32, #tpu.memory_space<hbm>>
      %dma_start3A_24 = tpu.memref_squeeze %dma_start3A_23 : memref<1x1x10000xf32, #tpu.memory_space<hbm>> -> memref<10000xf32, #tpu.memory_space<hbm>>
      tpu.enqueue_dma source(%arg8 : memref<10000xf32, #tpu.memory_space<vmem>>) target(%dma_start3A_24 : memref<10000xf32, #tpu.memory_space<hbm>>) target_semaphore(%run_scoped3A_19 : memref<!tpu.dma_semaphore, #tpu.memory_space<semaphore_mem>>)
      %dma_wait3A = arith.constant 0 : i32
      %dma_wait3A_25 = tpu.memref_slice %arg4[%add3A, %run_scoped3A_18, %dma_wait3A] : memref<32x1x10000xf32, #tpu.memory_space<hbm>> -> memref<1x1x10000xf32, #tpu.memory_space<hbm>>
      %dma_wait3A_26 = tpu.memref_squeeze %dma_wait3A_25 : memref<1x1x10000xf32, #tpu.memory_space<hbm>> -> memref<10000xf32, #tpu.memory_space<hbm>>
      %dma_wait3A_27 = arith.constant 0 : i32
      %dma_wait3A_28 = tpu.memref_slice %arg4[%add3A, %run_scoped3A_18, %dma_wait3A_27] : memref<32x1x10000xf32, #tpu.memory_space<hbm>> -> memref<1x1x10000xf32, #tpu.memory_space<hbm>>
      %dma_wait3A_29 = tpu.memref_squeeze %dma_wait3A_28 : memref<1x1x10000xf32, #tpu.memory_space<hbm>> -> memref<10000xf32, #tpu.memory_space<hbm>>
      tpu.wait_dma2 semaphore(%run_scoped3A_19 : memref<!tpu.dma_semaphore, #tpu.memory_space<semaphore_mem>>) src(%arg8 : memref<10000xf32, #tpu.memory_space<vmem>>) dst(%dma_wait3A_29 : memref<10000xf32, #tpu.memory_space<hbm>>)
      tpu.yield
    }) : () -> ()
    return
  }
}

#map = affine_map<(d0, d1) -> (0, 0)>
#map1 = affine_map<(d0, d1) -> (0, 0, 0, 0, 0)>
#map2 = affine_map<(d0, d1) -> (0, 0, 0)>
module attributes {stable_mosaic.version = 14 : i64} {
  func.func @_edge128_body(%arg0: i32, %arg1: i32, %arg2: memref<10000x128xf32, #tpu.memory_space<hbm>>, %arg3: memref<2x32x2x50x100xi32, #tpu.memory_space<hbm>>, %arg4: memref<2x10240x128xf32, #tpu.memory_space<hbm>>, %arg5: memref<50x100xi32, #tpu.memory_space<vmem>>, %arg6: memref<50x100xi32, #tpu.memory_space<vmem>>, %arg7: memref<100x128xf32, #tpu.memory_space<vmem>>, %arg8: memref<100x128xf32, #tpu.memory_space<vmem>>, %arg9: memref<10240x128xf32, #tpu.memory_space<vmem_shared>>, %arg10: memref<!tpu.dma_semaphore, #tpu.memory_space<semaphore_mem>>, %arg11: memref<!tpu.dma_semaphore, #tpu.memory_space<semaphore_mem>>, %arg12: memref<!tpu.dma_semaphore, #tpu.memory_space<semaphore_mem>>, %arg13: memref<!tpu.dma_semaphore, #tpu.memory_space<semaphore_mem>>) attributes {dimension_semantics = [#tpu.dimension_semantics<core_parallel>, #tpu.dimension_semantics<subcore_parallel>], iteration_bounds = array<i64: 2, 16>, scalar_prefetch = 0 : i64, scratch_operands = 9 : i64, tpu.core_type = #tpu.core_type<sc_vector_subcore>, window_params = [{transform_indices = #map}, {transform_indices = #map1}, {transform_indices = #map2}]} {
    %mul3A = arith.constant 16 : i32
    %mul3A_0 = arith.muli %arg0, %mul3A : i32
    %add3A = arith.addi %mul3A_0, %arg1 : i32
    %scan3A = arith.constant 0 : i32
    %scan3A_1 = arith.constant 0 : i32
    %scan3A_2 = arith.constant 100 : i32
    %scan3A_3 = arith.addi %scan3A_1, %scan3A_2 : i32
    %scan3A_4 = arith.constant 1 : i32
    %scan3A_5 = scf.for %scan3A_89 = %scan3A_1 to %scan3A_3 step %scan3A_4 iter_args(%scan3A_90 = %scan3A) -> (i32)  : i32 {
      %broadcast_in_dim3A = arith.constant 0.000000e+00 : f32
      %broadcast_in_dim3A_91 = vector.broadcast %broadcast_in_dim3A : f32 to vector<16xf32>
      %swap3A = arith.index_cast %scan3A_89 : i32 to index
      %swap3A_92 = arith.constant 0 : index
      %swap3A_93 = tpu.vector_load %arg7[%swap3A, %swap3A_92] {strides = array<i32>} : memref<100x128xf32, #tpu.memory_space<vmem>>, vector<16xf32>,
      tpu.vector_store %arg7[%swap3A, %swap3A_92], %broadcast_in_dim3A_91 {strides = array<i32>} : memref<100x128xf32, #tpu.memory_space<vmem>>, vector<16xf32>,
      %broadcast_in_dim3A_94 = arith.constant 0.000000e+00 : f32
      %broadcast_in_dim3A_95 = vector.broadcast %broadcast_in_dim3A_94 : f32 to vector<16xf32>
      %swap3A_96 = arith.index_cast %scan3A_89 : i32 to index
      %swap3A_97 = arith.constant 16 : index
      %swap3A_98 = tpu.vector_load %arg7[%swap3A_96, %swap3A_97] {strides = array<i32>} : memref<100x128xf32, #tpu.memory_space<vmem>>, vector<16xf32>,
      tpu.vector_store %arg7[%swap3A_96, %swap3A_97], %broadcast_in_dim3A_95 {strides = array<i32>} : memref<100x128xf32, #tpu.memory_space<vmem>>, vector<16xf32>,
      %broadcast_in_dim3A_99 = arith.constant 0.000000e+00 : f32
      %broadcast_in_dim3A_100 = vector.broadcast %broadcast_in_dim3A_99 : f32 to vector<16xf32>
      %swap3A_101 = arith.index_cast %scan3A_89 : i32 to index
      %swap3A_102 = arith.constant 32 : index
      %swap3A_103 = tpu.vector_load %arg7[%swap3A_101, %swap3A_102] {strides = array<i32>} : memref<100x128xf32, #tpu.memory_space<vmem>>, vector<16xf32>,
      tpu.vector_store %arg7[%swap3A_101, %swap3A_102], %broadcast_in_dim3A_100 {strides = array<i32>} : memref<100x128xf32, #tpu.memory_space<vmem>>, vector<16xf32>,
      %broadcast_in_dim3A_104 = arith.constant 0.000000e+00 : f32
      %broadcast_in_dim3A_105 = vector.broadcast %broadcast_in_dim3A_104 : f32 to vector<16xf32>
      %swap3A_106 = arith.index_cast %scan3A_89 : i32 to index
      %swap3A_107 = arith.constant 48 : index
      %swap3A_108 = tpu.vector_load %arg7[%swap3A_106, %swap3A_107] {strides = array<i32>} : memref<100x128xf32, #tpu.memory_space<vmem>>, vector<16xf32>,
      tpu.vector_store %arg7[%swap3A_106, %swap3A_107], %broadcast_in_dim3A_105 {strides = array<i32>} : memref<100x128xf32, #tpu.memory_space<vmem>>, vector<16xf32>,
      %broadcast_in_dim3A_109 = arith.constant 0.000000e+00 : f32
      %broadcast_in_dim3A_110 = vector.broadcast %broadcast_in_dim3A_109 : f32 to vector<16xf32>
      %swap3A_111 = arith.index_cast %scan3A_89 : i32 to index
      %swap3A_112 = arith.constant 64 : index
      %swap3A_113 = tpu.vector_load %arg7[%swap3A_111, %swap3A_112] {strides = array<i32>} : memref<100x128xf32, #tpu.memory_space<vmem>>, vector<16xf32>,
      tpu.vector_store %arg7[%swap3A_111, %swap3A_112], %broadcast_in_dim3A_110 {strides = array<i32>} : memref<100x128xf32, #tpu.memory_space<vmem>>, vector<16xf32>,
      %broadcast_in_dim3A_114 = arith.constant 0.000000e+00 : f32
      %broadcast_in_dim3A_115 = vector.broadcast %broadcast_in_dim3A_114 : f32 to vector<16xf32>
      %swap3A_116 = arith.index_cast %scan3A_89 : i32 to index
      %swap3A_117 = arith.constant 80 : index
      %swap3A_118 = tpu.vector_load %arg7[%swap3A_116, %swap3A_117] {strides = array<i32>} : memref<100x128xf32, #tpu.memory_space<vmem>>, vector<16xf32>,
      tpu.vector_store %arg7[%swap3A_116, %swap3A_117], %broadcast_in_dim3A_115 {strides = array<i32>} : memref<100x128xf32, #tpu.memory_space<vmem>>, vector<16xf32>,
      %broadcast_in_dim3A_119 = arith.constant 0.000000e+00 : f32
      %broadcast_in_dim3A_120 = vector.broadcast %broadcast_in_dim3A_119 : f32 to vector<16xf32>
      %swap3A_121 = arith.index_cast %scan3A_89 : i32 to index
      %swap3A_122 = arith.constant 96 : index
      %swap3A_123 = tpu.vector_load %arg7[%swap3A_121, %swap3A_122] {strides = array<i32>} : memref<100x128xf32, #tpu.memory_space<vmem>>, vector<16xf32>,
      tpu.vector_store %arg7[%swap3A_121, %swap3A_122], %broadcast_in_dim3A_120 {strides = array<i32>} : memref<100x128xf32, #tpu.memory_space<vmem>>, vector<16xf32>,
      %broadcast_in_dim3A_124 = arith.constant 0.000000e+00 : f32
      %broadcast_in_dim3A_125 = vector.broadcast %broadcast_in_dim3A_124 : f32 to vector<16xf32>
      %swap3A_126 = arith.index_cast %scan3A_89 : i32 to index
      %swap3A_127 = arith.constant 112 : index
      %swap3A_128 = tpu.vector_load %arg7[%swap3A_126, %swap3A_127] {strides = array<i32>} : memref<100x128xf32, #tpu.memory_space<vmem>>, vector<16xf32>,
      tpu.vector_store %arg7[%swap3A_126, %swap3A_127], %broadcast_in_dim3A_125 {strides = array<i32>} : memref<100x128xf32, #tpu.memory_space<vmem>>, vector<16xf32>,
      %scan3A_129 = arith.constant 0 : i32
      scf.yield %scan3A_129 : i32
    }
    %scan3A_6 = arith.constant 100 : i32
    %mul3A_7 = arith.constant 640 : i32
    %mul3A_8 = arith.muli %arg1, %mul3A_7 : i32
    %add3A_9 = arith.constant 0 : i32
    %add3A_10 = arith.addi %mul3A_8, %add3A_9 : i32
    "tpu.region"() ({
      %run_scoped3A_89 = tpu.sem_alloc : memref<!tpu.dma_semaphore, #tpu.memory_space<semaphore_mem>>
      %dma_start3A_90 = arith.constant 0 : i32
      %dma_start3A_91 = arith.constant 0 : i32
      %dma_start3A_92 = tpu.memref_slice %arg7[%dma_start3A_90, %dma_start3A_91] : memref<100x128xf32, #tpu.memory_space<vmem>> -> memref<96x128xf32, #tpu.memory_space<vmem>>
      %dma_start3A_93 = arith.constant 0 : i32
      %dma_start3A_94 = tpu.memref_slice %arg9[%add3A_10, %dma_start3A_93] : memref<10240x128xf32, #tpu.memory_space<vmem_shared>> -> memref<96x128xf32, #tpu.memory_space<vmem_shared>>
      %dma_start3A_95 = arith.constant 0 : i32
      %dma_start3A_96 = tpu.memref_slice %arg9[%add3A_10, %dma_start3A_95] : memref<10240x128xf32, #tpu.memory_space<vmem_shared>> -> memref<96x128xf32, #tpu.memory_space<vmem_shared>>
      %dma_start3A_97 = arith.constant 0 : i32
      %dma_start3A_98 = arith.constant 0 : i32
      %dma_start3A_99 = tpu.memref_slice %arg7[%dma_start3A_97, %dma_start3A_98] : memref<100x128xf32, #tpu.memory_space<vmem>> -> memref<96x128xf32, #tpu.memory_space<vmem>>
      tpu.enqueue_dma source(%dma_start3A_99 : memref<96x128xf32, #tpu.memory_space<vmem>>) target(%dma_start3A_96 : memref<96x128xf32, #tpu.memory_space<vmem_shared>>) target_semaphore(%run_scoped3A_89 : memref<!tpu.dma_semaphore, #tpu.memory_space<semaphore_mem>>)
      %dma_wait3A_100 = arith.constant 0 : i32
      %dma_wait3A_101 = arith.constant 0 : i32
      %dma_wait3A_102 = tpu.memref_slice %arg7[%dma_wait3A_100, %dma_wait3A_101] : memref<100x128xf32, #tpu.memory_space<vmem>> -> memref<96x128xf32, #tpu.memory_space<vmem>>
      %dma_wait3A_103 = arith.constant 0 : i32
      %dma_wait3A_104 = tpu.memref_slice %arg9[%add3A_10, %dma_wait3A_103] : memref<10240x128xf32, #tpu.memory_space<vmem_shared>> -> memref<96x128xf32, #tpu.memory_space<vmem_shared>>
      %dma_wait3A_105 = arith.constant 0 : i32
      %dma_wait3A_106 = tpu.memref_slice %arg9[%add3A_10, %dma_wait3A_105] : memref<10240x128xf32, #tpu.memory_space<vmem_shared>> -> memref<96x128xf32, #tpu.memory_space<vmem_shared>>
      %dma_wait3A_107 = arith.constant 0 : i32
      %dma_wait3A_108 = arith.constant 0 : i32
      %dma_wait3A_109 = tpu.memref_slice %arg7[%dma_wait3A_107, %dma_wait3A_108] : memref<100x128xf32, #tpu.memory_space<vmem>> -> memref<96x128xf32, #tpu.memory_space<vmem>>
      tpu.wait_dma2 semaphore(%run_scoped3A_89 : memref<!tpu.dma_semaphore, #tpu.memory_space<semaphore_mem>>) src(%dma_wait3A_109 : memref<96x128xf32, #tpu.memory_space<vmem>>) dst(%dma_wait3A_106 : memref<96x128xf32, #tpu.memory_space<vmem_shared>>)
      tpu.yield
    }) : () -> ()
    %add3A_11 = arith.constant 96 : i32
    %add3A_12 = arith.addi %mul3A_8, %add3A_11 : i32
    "tpu.region"() ({
      %run_scoped3A_89 = tpu.sem_alloc : memref<!tpu.dma_semaphore, #tpu.memory_space<semaphore_mem>>
      %dma_start3A_90 = arith.constant 0 : i32
      %dma_start3A_91 = arith.constant 0 : i32
      %dma_start3A_92 = tpu.memref_slice %arg7[%dma_start3A_90, %dma_start3A_91] : memref<100x128xf32, #tpu.memory_space<vmem>> -> memref<96x128xf32, #tpu.memory_space<vmem>>
      %dma_start3A_93 = arith.constant 0 : i32
      %dma_start3A_94 = tpu.memref_slice %arg9[%add3A_12, %dma_start3A_93] : memref<10240x128xf32, #tpu.memory_space<vmem_shared>> -> memref<96x128xf32, #tpu.memory_space<vmem_shared>>
      %dma_start3A_95 = arith.constant 0 : i32
      %dma_start3A_96 = tpu.memref_slice %arg9[%add3A_12, %dma_start3A_95] : memref<10240x128xf32, #tpu.memory_space<vmem_shared>> -> memref<96x128xf32, #tpu.memory_space<vmem_shared>>
      %dma_start3A_97 = arith.constant 0 : i32
      %dma_start3A_98 = arith.constant 0 : i32
      %dma_start3A_99 = tpu.memref_slice %arg7[%dma_start3A_97, %dma_start3A_98] : memref<100x128xf32, #tpu.memory_space<vmem>> -> memref<96x128xf32, #tpu.memory_space<vmem>>
      tpu.enqueue_dma source(%dma_start3A_99 : memref<96x128xf32, #tpu.memory_space<vmem>>) target(%dma_start3A_96 : memref<96x128xf32, #tpu.memory_space<vmem_shared>>) target_semaphore(%run_scoped3A_89 : memref<!tpu.dma_semaphore, #tpu.memory_space<semaphore_mem>>)
      %dma_wait3A_100 = arith.constant 0 : i32
      %dma_wait3A_101 = arith.constant 0 : i32
      %dma_wait3A_102 = tpu.memref_slice %arg7[%dma_wait3A_100, %dma_wait3A_101] : memref<100x128xf32, #tpu.memory_space<vmem>> -> memref<96x128xf32, #tpu.memory_space<vmem>>
      %dma_wait3A_103 = arith.constant 0 : i32
      %dma_wait3A_104 = tpu.memref_slice %arg9[%add3A_12, %dma_wait3A_103] : memref<10240x128xf32, #tpu.memory_space<vmem_shared>> -> memref<96x128xf32, #tpu.memory_space<vmem_shared>>
      %dma_wait3A_105 = arith.constant 0 : i32
      %dma_wait3A_106 = tpu.memref_slice %arg9[%add3A_12, %dma_wait3A_105] : memref<10240x128xf32, #tpu.memory_space<vmem_shared>> -> memref<96x128xf32, #tpu.memory_space<vmem_shared>>
      %dma_wait3A_107 = arith.constant 0 : i32
      %dma_wait3A_108 = arith.constant 0 : i32
      %dma_wait3A_109 = tpu.memref_slice %arg7[%dma_wait3A_107, %dma_wait3A_108] : memref<100x128xf32, #tpu.memory_space<vmem>> -> memref<96x128xf32, #tpu.memory_space<vmem>>
      tpu.wait_dma2 semaphore(%run_scoped3A_89 : memref<!tpu.dma_semaphore, #tpu.memory_space<semaphore_mem>>) src(%dma_wait3A_109 : memref<96x128xf32, #tpu.memory_space<vmem>>) dst(%dma_wait3A_106 : memref<96x128xf32, #tpu.memory_space<vmem_shared>>)
      tpu.yield
    }) : () -> ()
    %add3A_13 = arith.constant 192 : i32
    %add3A_14 = arith.addi %mul3A_8, %add3A_13 : i32
    "tpu.region"() ({
      %run_scoped3A_89 = tpu.sem_alloc : memref<!tpu.dma_semaphore, #tpu.memory_space<semaphore_mem>>
      %dma_start3A_90 = arith.constant 0 : i32
      %dma_start3A_91 = arith.constant 0 : i32
      %dma_start3A_92 = tpu.memref_slice %arg7[%dma_start3A_90, %dma_start3A_91] : memref<100x128xf32, #tpu.memory_space<vmem>> -> memref<96x128xf32, #tpu.memory_space<vmem>>
      %dma_start3A_93 = arith.constant 0 : i32
      %dma_start3A_94 = tpu.memref_slice %arg9[%add3A_14, %dma_start3A_93] : memref<10240x128xf32, #tpu.memory_space<vmem_shared>> -> memref<96x128xf32, #tpu.memory_space<vmem_shared>>
      %dma_start3A_95 = arith.constant 0 : i32
      %dma_start3A_96 = tpu.memref_slice %arg9[%add3A_14, %dma_start3A_95] : memref<10240x128xf32, #tpu.memory_space<vmem_shared>> -> memref<96x128xf32, #tpu.memory_space<vmem_shared>>
      %dma_start3A_97 = arith.constant 0 : i32
      %dma_start3A_98 = arith.constant 0 : i32
      %dma_start3A_99 = tpu.memref_slice %arg7[%dma_start3A_97, %dma_start3A_98] : memref<100x128xf32, #tpu.memory_space<vmem>> -> memref<96x128xf32, #tpu.memory_space<vmem>>
      tpu.enqueue_dma source(%dma_start3A_99 : memref<96x128xf32, #tpu.memory_space<vmem>>) target(%dma_start3A_96 : memref<96x128xf32, #tpu.memory_space<vmem_shared>>) target_semaphore(%run_scoped3A_89 : memref<!tpu.dma_semaphore, #tpu.memory_space<semaphore_mem>>)
      %dma_wait3A_100 = arith.constant 0 : i32
      %dma_wait3A_101 = arith.constant 0 : i32
      %dma_wait3A_102 = tpu.memref_slice %arg7[%dma_wait3A_100, %dma_wait3A_101] : memref<100x128xf32, #tpu.memory_space<vmem>> -> memref<96x128xf32, #tpu.memory_space<vmem>>
      %dma_wait3A_103 = arith.constant 0 : i32
      %dma_wait3A_104 = tpu.memref_slice %arg9[%add3A_14, %dma_wait3A_103] : memref<10240x128xf32, #tpu.memory_space<vmem_shared>> -> memref<96x128xf32, #tpu.memory_space<vmem_shared>>
      %dma_wait3A_105 = arith.constant 0 : i32
      %dma_wait3A_106 = tpu.memref_slice %arg9[%add3A_14, %dma_wait3A_105] : memref<10240x128xf32, #tpu.memory_space<vmem_shared>> -> memref<96x128xf32, #tpu.memory_space<vmem_shared>>
      %dma_wait3A_107 = arith.constant 0 : i32
      %dma_wait3A_108 = arith.constant 0 : i32
      %dma_wait3A_109 = tpu.memref_slice %arg7[%dma_wait3A_107, %dma_wait3A_108] : memref<100x128xf32, #tpu.memory_space<vmem>> -> memref<96x128xf32, #tpu.memory_space<vmem>>
      tpu.wait_dma2 semaphore(%run_scoped3A_89 : memref<!tpu.dma_semaphore, #tpu.memory_space<semaphore_mem>>) src(%dma_wait3A_109 : memref<96x128xf32, #tpu.memory_space<vmem>>) dst(%dma_wait3A_106 : memref<96x128xf32, #tpu.memory_space<vmem_shared>>)
      tpu.yield
    }) : () -> ()
    %add3A_15 = arith.constant 288 : i32
    %add3A_16 = arith.addi %mul3A_8, %add3A_15 : i32
    "tpu.region"() ({
      %run_scoped3A_89 = tpu.sem_alloc : memref<!tpu.dma_semaphore, #tpu.memory_space<semaphore_mem>>
      %dma_start3A_90 = arith.constant 0 : i32
      %dma_start3A_91 = arith.constant 0 : i32
      %dma_start3A_92 = tpu.memref_slice %arg7[%dma_start3A_90, %dma_start3A_91] : memref<100x128xf32, #tpu.memory_space<vmem>> -> memref<96x128xf32, #tpu.memory_space<vmem>>
      %dma_start3A_93 = arith.constant 0 : i32
      %dma_start3A_94 = tpu.memref_slice %arg9[%add3A_16, %dma_start3A_93] : memref<10240x128xf32, #tpu.memory_space<vmem_shared>> -> memref<96x128xf32, #tpu.memory_space<vmem_shared>>
      %dma_start3A_95 = arith.constant 0 : i32
      %dma_start3A_96 = tpu.memref_slice %arg9[%add3A_16, %dma_start3A_95] : memref<10240x128xf32, #tpu.memory_space<vmem_shared>> -> memref<96x128xf32, #tpu.memory_space<vmem_shared>>
      %dma_start3A_97 = arith.constant 0 : i32
      %dma_start3A_98 = arith.constant 0 : i32
      %dma_start3A_99 = tpu.memref_slice %arg7[%dma_start3A_97, %dma_start3A_98] : memref<100x128xf32, #tpu.memory_space<vmem>> -> memref<96x128xf32, #tpu.memory_space<vmem>>
      tpu.enqueue_dma source(%dma_start3A_99 : memref<96x128xf32, #tpu.memory_space<vmem>>) target(%dma_start3A_96 : memref<96x128xf32, #tpu.memory_space<vmem_shared>>) target_semaphore(%run_scoped3A_89 : memref<!tpu.dma_semaphore, #tpu.memory_space<semaphore_mem>>)
      %dma_wait3A_100 = arith.constant 0 : i32
      %dma_wait3A_101 = arith.constant 0 : i32
      %dma_wait3A_102 = tpu.memref_slice %arg7[%dma_wait3A_100, %dma_wait3A_101] : memref<100x128xf32, #tpu.memory_space<vmem>> -> memref<96x128xf32, #tpu.memory_space<vmem>>
      %dma_wait3A_103 = arith.constant 0 : i32
      %dma_wait3A_104 = tpu.memref_slice %arg9[%add3A_16, %dma_wait3A_103] : memref<10240x128xf32, #tpu.memory_space<vmem_shared>> -> memref<96x128xf32, #tpu.memory_space<vmem_shared>>
      %dma_wait3A_105 = arith.constant 0 : i32
      %dma_wait3A_106 = tpu.memref_slice %arg9[%add3A_16, %dma_wait3A_105] : memref<10240x128xf32, #tpu.memory_space<vmem_shared>> -> memref<96x128xf32, #tpu.memory_space<vmem_shared>>
      %dma_wait3A_107 = arith.constant 0 : i32
      %dma_wait3A_108 = arith.constant 0 : i32
      %dma_wait3A_109 = tpu.memref_slice %arg7[%dma_wait3A_107, %dma_wait3A_108] : memref<100x128xf32, #tpu.memory_space<vmem>> -> memref<96x128xf32, #tpu.memory_space<vmem>>
      tpu.wait_dma2 semaphore(%run_scoped3A_89 : memref<!tpu.dma_semaphore, #tpu.memory_space<semaphore_mem>>) src(%dma_wait3A_109 : memref<96x128xf32, #tpu.memory_space<vmem>>) dst(%dma_wait3A_106 : memref<96x128xf32, #tpu.memory_space<vmem_shared>>)
      tpu.yield
    }) : () -> ()
    %add3A_17 = arith.constant 384 : i32
    %add3A_18 = arith.addi %mul3A_8, %add3A_17 : i32
    "tpu.region"() ({
      %run_scoped3A_89 = tpu.sem_alloc : memref<!tpu.dma_semaphore, #tpu.memory_space<semaphore_mem>>
      %dma_start3A_90 = arith.constant 0 : i32
      %dma_start3A_91 = arith.constant 0 : i32
      %dma_start3A_92 = tpu.memref_slice %arg7[%dma_start3A_90, %dma_start3A_91] : memref<100x128xf32, #tpu.memory_space<vmem>> -> memref<96x128xf32, #tpu.memory_space<vmem>>
      %dma_start3A_93 = arith.constant 0 : i32
      %dma_start3A_94 = tpu.memref_slice %arg9[%add3A_18, %dma_start3A_93] : memref<10240x128xf32, #tpu.memory_space<vmem_shared>> -> memref<96x128xf32, #tpu.memory_space<vmem_shared>>
      %dma_start3A_95 = arith.constant 0 : i32
      %dma_start3A_96 = tpu.memref_slice %arg9[%add3A_18, %dma_start3A_95] : memref<10240x128xf32, #tpu.memory_space<vmem_shared>> -> memref<96x128xf32, #tpu.memory_space<vmem_shared>>
      %dma_start3A_97 = arith.constant 0 : i32
      %dma_start3A_98 = arith.constant 0 : i32
      %dma_start3A_99 = tpu.memref_slice %arg7[%dma_start3A_97, %dma_start3A_98] : memref<100x128xf32, #tpu.memory_space<vmem>> -> memref<96x128xf32, #tpu.memory_space<vmem>>
      tpu.enqueue_dma source(%dma_start3A_99 : memref<96x128xf32, #tpu.memory_space<vmem>>) target(%dma_start3A_96 : memref<96x128xf32, #tpu.memory_space<vmem_shared>>) target_semaphore(%run_scoped3A_89 : memref<!tpu.dma_semaphore, #tpu.memory_space<semaphore_mem>>)
      %dma_wait3A_100 = arith.constant 0 : i32
      %dma_wait3A_101 = arith.constant 0 : i32
      %dma_wait3A_102 = tpu.memref_slice %arg7[%dma_wait3A_100, %dma_wait3A_101] : memref<100x128xf32, #tpu.memory_space<vmem>> -> memref<96x128xf32, #tpu.memory_space<vmem>>
      %dma_wait3A_103 = arith.constant 0 : i32
      %dma_wait3A_104 = tpu.memref_slice %arg9[%add3A_18, %dma_wait3A_103] : memref<10240x128xf32, #tpu.memory_space<vmem_shared>> -> memref<96x128xf32, #tpu.memory_space<vmem_shared>>
      %dma_wait3A_105 = arith.constant 0 : i32
      %dma_wait3A_106 = tpu.memref_slice %arg9[%add3A_18, %dma_wait3A_105] : memref<10240x128xf32, #tpu.memory_space<vmem_shared>> -> memref<96x128xf32, #tpu.memory_space<vmem_shared>>
      %dma_wait3A_107 = arith.constant 0 : i32
      %dma_wait3A_108 = arith.constant 0 : i32
      %dma_wait3A_109 = tpu.memref_slice %arg7[%dma_wait3A_107, %dma_wait3A_108] : memref<100x128xf32, #tpu.memory_space<vmem>> -> memref<96x128xf32, #tpu.memory_space<vmem>>
      tpu.wait_dma2 semaphore(%run_scoped3A_89 : memref<!tpu.dma_semaphore, #tpu.memory_space<semaphore_mem>>) src(%dma_wait3A_109 : memref<96x128xf32, #tpu.memory_space<vmem>>) dst(%dma_wait3A_106 : memref<96x128xf32, #tpu.memory_space<vmem_shared>>)
      tpu.yield
    }) : () -> ()
    %add3A_19 = arith.constant 480 : i32
    %add3A_20 = arith.addi %mul3A_8, %add3A_19 : i32
    "tpu.region"() ({
      %run_scoped3A_89 = tpu.sem_alloc : memref<!tpu.dma_semaphore, #tpu.memory_space<semaphore_mem>>
      %dma_start3A_90 = arith.constant 0 : i32
      %dma_start3A_91 = arith.constant 0 : i32
      %dma_start3A_92 = tpu.memref_slice %arg7[%dma_start3A_90, %dma_start3A_91] : memref<100x128xf32, #tpu.memory_space<vmem>> -> memref<96x128xf32, #tpu.memory_space<vmem>>
      %dma_start3A_93 = arith.constant 0 : i32
      %dma_start3A_94 = tpu.memref_slice %arg9[%add3A_20, %dma_start3A_93] : memref<10240x128xf32, #tpu.memory_space<vmem_shared>> -> memref<96x128xf32, #tpu.memory_space<vmem_shared>>
      %dma_start3A_95 = arith.constant 0 : i32
      %dma_start3A_96 = tpu.memref_slice %arg9[%add3A_20, %dma_start3A_95] : memref<10240x128xf32, #tpu.memory_space<vmem_shared>> -> memref<96x128xf32, #tpu.memory_space<vmem_shared>>
      %dma_start3A_97 = arith.constant 0 : i32
      %dma_start3A_98 = arith.constant 0 : i32
      %dma_start3A_99 = tpu.memref_slice %arg7[%dma_start3A_97, %dma_start3A_98] : memref<100x128xf32, #tpu.memory_space<vmem>> -> memref<96x128xf32, #tpu.memory_space<vmem>>
      tpu.enqueue_dma source(%dma_start3A_99 : memref<96x128xf32, #tpu.memory_space<vmem>>) target(%dma_start3A_96 : memref<96x128xf32, #tpu.memory_space<vmem_shared>>) target_semaphore(%run_scoped3A_89 : memref<!tpu.dma_semaphore, #tpu.memory_space<semaphore_mem>>)
      %dma_wait3A_100 = arith.constant 0 : i32
      %dma_wait3A_101 = arith.constant 0 : i32
      %dma_wait3A_102 = tpu.memref_slice %arg7[%dma_wait3A_100, %dma_wait3A_101] : memref<100x128xf32, #tpu.memory_space<vmem>> -> memref<96x128xf32, #tpu.memory_space<vmem>>
      %dma_wait3A_103 = arith.constant 0 : i32
      %dma_wait3A_104 = tpu.memref_slice %arg9[%add3A_20, %dma_wait3A_103] : memref<10240x128xf32, #tpu.memory_space<vmem_shared>> -> memref<96x128xf32, #tpu.memory_space<vmem_shared>>
      %dma_wait3A_105 = arith.constant 0 : i32
      %dma_wait3A_106 = tpu.memref_slice %arg9[%add3A_20, %dma_wait3A_105] : memref<10240x128xf32, #tpu.memory_space<vmem_shared>> -> memref<96x128xf32, #tpu.memory_space<vmem_shared>>
      %dma_wait3A_107 = arith.constant 0 : i32
      %dma_wait3A_108 = arith.constant 0 : i32
      %dma_wait3A_109 = tpu.memref_slice %arg7[%dma_wait3A_107, %dma_wait3A_108] : memref<100x128xf32, #tpu.memory_space<vmem>> -> memref<96x128xf32, #tpu.memory_space<vmem>>
      tpu.wait_dma2 semaphore(%run_scoped3A_89 : memref<!tpu.dma_semaphore, #tpu.memory_space<semaphore_mem>>) src(%dma_wait3A_109 : memref<96x128xf32, #tpu.memory_space<vmem>>) dst(%dma_wait3A_106 : memref<96x128xf32, #tpu.memory_space<vmem_shared>>)
      tpu.yield
    }) : () -> ()
    %add3A_21 = arith.constant 576 : i32
    %add3A_22 = arith.addi %mul3A_8, %add3A_21 : i32
    "tpu.region"() ({
      %run_scoped3A_89 = tpu.sem_alloc : memref<!tpu.dma_semaphore, #tpu.memory_space<semaphore_mem>>
      %dma_start3A_90 = arith.constant 0 : i32
      %dma_start3A_91 = arith.constant 0 : i32
      %dma_start3A_92 = tpu.memref_slice %arg7[%dma_start3A_90, %dma_start3A_91] : memref<100x128xf32, #tpu.memory_space<vmem>> -> memref<64x128xf32, #tpu.memory_space<vmem>>
      %dma_start3A_93 = arith.constant 0 : i32
      %dma_start3A_94 = tpu.memref_slice %arg9[%add3A_22, %dma_start3A_93] : memref<10240x128xf32, #tpu.memory_space<vmem_shared>> -> memref<64x128xf32, #tpu.memory_space<vmem_shared>>
      %dma_start3A_95 = arith.constant 0 : i32
      %dma_start3A_96 = tpu.memref_slice %arg9[%add3A_22, %dma_start3A_95] : memref<10240x128xf32, #tpu.memory_space<vmem_shared>> -> memref<64x128xf32, #tpu.memory_space<vmem_shared>>
      %dma_start3A_97 = arith.constant 0 : i32
      %dma_start3A_98 = arith.constant 0 : i32
      %dma_start3A_99 = tpu.memref_slice %arg7[%dma_start3A_97, %dma_start3A_98] : memref<100x128xf32, #tpu.memory_space<vmem>> -> memref<64x128xf32, #tpu.memory_space<vmem>>
      tpu.enqueue_dma source(%dma_start3A_99 : memref<64x128xf32, #tpu.memory_space<vmem>>) target(%dma_start3A_96 : memref<64x128xf32, #tpu.memory_space<vmem_shared>>) target_semaphore(%run_scoped3A_89 : memref<!tpu.dma_semaphore, #tpu.memory_space<semaphore_mem>>)
      %dma_wait3A_100 = arith.constant 0 : i32
      %dma_wait3A_101 = arith.constant 0 : i32
      %dma_wait3A_102 = tpu.memref_slice %arg7[%dma_wait3A_100, %dma_wait3A_101] : memref<100x128xf32, #tpu.memory_space<vmem>> -> memref<64x128xf32, #tpu.memory_space<vmem>>
      %dma_wait3A_103 = arith.constant 0 : i32
      %dma_wait3A_104 = tpu.memref_slice %arg9[%add3A_22, %dma_wait3A_103] : memref<10240x128xf32, #tpu.memory_space<vmem_shared>> -> memref<64x128xf32, #tpu.memory_space<vmem_shared>>
      %dma_wait3A_105 = arith.constant 0 : i32
      %dma_wait3A_106 = tpu.memref_slice %arg9[%add3A_22, %dma_wait3A_105] : memref<10240x128xf32, #tpu.memory_space<vmem_shared>> -> memref<64x128xf32, #tpu.memory_space<vmem_shared>>
      %dma_wait3A_107 = arith.constant 0 : i32
      %dma_wait3A_108 = arith.constant 0 : i32
      %dma_wait3A_109 = tpu.memref_slice %arg7[%dma_wait3A_107, %dma_wait3A_108] : memref<100x128xf32, #tpu.memory_space<vmem>> -> memref<64x128xf32, #tpu.memory_space<vmem>>
      tpu.wait_dma2 semaphore(%run_scoped3A_89 : memref<!tpu.dma_semaphore, #tpu.memory_space<semaphore_mem>>) src(%dma_wait3A_109 : memref<64x128xf32, #tpu.memory_space<vmem>>) dst(%dma_wait3A_106 : memref<64x128xf32, #tpu.memory_space<vmem_shared>>)
      tpu.yield
    }) : () -> ()
    %barrier3A = arith.constant 0 : index
    tpu.barrier barrier_id(%barrier3A)
    %run_scoped3A = arith.constant 0 : i32
    %run_scoped3A_23 = arith.constant 0 : i32
    "tpu.region"() ({
      %run_scoped3A_89 = tpu.sem_alloc : memref<!tpu.dma_semaphore, #tpu.memory_space<semaphore_mem>>
      %dma_start3A_90 = arith.constant 0 : i32
      %dma_start3A_91 = arith.constant 0 : i32
      %dma_start3A_92 = tpu.memref_slice %arg3[%run_scoped3A, %add3A, %run_scoped3A_23, %dma_start3A_90, %dma_start3A_91] : memref<2x32x2x50x100xi32, #tpu.memory_space<hbm>> -> memref<1x1x1x50x100xi32, #tpu.memory_space<hbm>>
      %dma_start3A_93 = tpu.memref_squeeze %dma_start3A_92 : memref<1x1x1x50x100xi32, #tpu.memory_space<hbm>> -> memref<50x100xi32, #tpu.memory_space<hbm>>
      %dma_start3A_94 = arith.constant 0 : i32
      %dma_start3A_95 = arith.constant 0 : i32
      %dma_start3A_96 = tpu.memref_slice %arg3[%run_scoped3A, %add3A, %run_scoped3A_23, %dma_start3A_94, %dma_start3A_95] : memref<2x32x2x50x100xi32, #tpu.memory_space<hbm>> -> memref<1x1x1x50x100xi32, #tpu.memory_space<hbm>>
      %dma_start3A_97 = tpu.memref_squeeze %dma_start3A_96 : memref<1x1x1x50x100xi32, #tpu.memory_space<hbm>> -> memref<50x100xi32, #tpu.memory_space<hbm>>
      tpu.enqueue_dma source(%dma_start3A_97 : memref<50x100xi32, #tpu.memory_space<hbm>>) target(%arg5 : memref<50x100xi32, #tpu.memory_space<vmem>>) target_semaphore(%run_scoped3A_89 : memref<!tpu.dma_semaphore, #tpu.memory_space<semaphore_mem>>)
      %dma_wait3A_98 = arith.constant 0 : i32
      %dma_wait3A_99 = arith.constant 0 : i32
      %dma_wait3A_100 = tpu.memref_slice %arg3[%run_scoped3A, %add3A, %run_scoped3A_23, %dma_wait3A_98, %dma_wait3A_99] : memref<2x32x2x50x100xi32, #tpu.memory_space<hbm>> -> memref<1x1x1x50x100xi32, #tpu.memory_space<hbm>>
      %dma_wait3A_101 = tpu.memref_squeeze %dma_wait3A_100 : memref<1x1x1x50x100xi32, #tpu.memory_space<hbm>> -> memref<50x100xi32, #tpu.memory_space<hbm>>
      %dma_wait3A_102 = arith.constant 0 : i32
      %dma_wait3A_103 = arith.constant 0 : i32
      %dma_wait3A_104 = tpu.memref_slice %arg3[%run_scoped3A, %add3A, %run_scoped3A_23, %dma_wait3A_102, %dma_wait3A_103] : memref<2x32x2x50x100xi32, #tpu.memory_space<hbm>> -> memref<1x1x1x50x100xi32, #tpu.memory_space<hbm>>
      %dma_wait3A_105 = tpu.memref_squeeze %dma_wait3A_104 : memref<1x1x1x50x100xi32, #tpu.memory_space<hbm>> -> memref<50x100xi32, #tpu.memory_space<hbm>>
      tpu.wait_dma2 semaphore(%run_scoped3A_89 : memref<!tpu.dma_semaphore, #tpu.memory_space<semaphore_mem>>) src(%dma_wait3A_105 : memref<50x100xi32, #tpu.memory_space<hbm>>) dst(%arg5 : memref<50x100xi32, #tpu.memory_space<vmem>>)
      tpu.yield
    }) : () -> ()
    %run_scoped3A_24 = arith.constant 1 : i32
    %run_scoped3A_25 = arith.constant 0 : i32
    "tpu.region"() ({
      %run_scoped3A_89 = tpu.sem_alloc : memref<!tpu.dma_semaphore, #tpu.memory_space<semaphore_mem>>
      %dma_start3A_90 = arith.constant 0 : i32
      %dma_start3A_91 = arith.constant 0 : i32
      %dma_start3A_92 = tpu.memref_slice %arg3[%run_scoped3A_24, %add3A, %run_scoped3A_25, %dma_start3A_90, %dma_start3A_91] : memref<2x32x2x50x100xi32, #tpu.memory_space<hbm>> -> memref<1x1x1x50x100xi32, #tpu.memory_space<hbm>>
      %dma_start3A_93 = tpu.memref_squeeze %dma_start3A_92 : memref<1x1x1x50x100xi32, #tpu.memory_space<hbm>> -> memref<50x100xi32, #tpu.memory_space<hbm>>
      %dma_start3A_94 = arith.constant 0 : i32
      %dma_start3A_95 = arith.constant 0 : i32
      %dma_start3A_96 = tpu.memref_slice %arg3[%run_scoped3A_24, %add3A, %run_scoped3A_25, %dma_start3A_94, %dma_start3A_95] : memref<2x32x2x50x100xi32, #tpu.memory_space<hbm>> -> memref<1x1x1x50x100xi32, #tpu.memory_space<hbm>>
      %dma_start3A_97 = tpu.memref_squeeze %dma_start3A_96 : memref<1x1x1x50x100xi32, #tpu.memory_space<hbm>> -> memref<50x100xi32, #tpu.memory_space<hbm>>
      tpu.enqueue_dma source(%dma_start3A_97 : memref<50x100xi32, #tpu.memory_space<hbm>>) target(%arg6 : memref<50x100xi32, #tpu.memory_space<vmem>>) target_semaphore(%run_scoped3A_89 : memref<!tpu.dma_semaphore, #tpu.memory_space<semaphore_mem>>)
      %dma_wait3A_98 = arith.constant 0 : i32
      %dma_wait3A_99 = arith.constant 0 : i32
      %dma_wait3A_100 = tpu.memref_slice %arg3[%run_scoped3A_24, %add3A, %run_scoped3A_25, %dma_wait3A_98, %dma_wait3A_99] : memref<2x32x2x50x100xi32, #tpu.memory_space<hbm>> -> memref<1x1x1x50x100xi32, #tpu.memory_space<hbm>>
      %dma_wait3A_101 = tpu.memref_squeeze %dma_wait3A_100 : memref<1x1x1x50x100xi32, #tpu.memory_space<hbm>> -> memref<50x100xi32, #tpu.memory_space<hbm>>
      %dma_wait3A_102 = arith.constant 0 : i32
      %dma_wait3A_103 = arith.constant 0 : i32
      %dma_wait3A_104 = tpu.memref_slice %arg3[%run_scoped3A_24, %add3A, %run_scoped3A_25, %dma_wait3A_102, %dma_wait3A_103] : memref<2x32x2x50x100xi32, #tpu.memory_space<hbm>> -> memref<1x1x1x50x100xi32, #tpu.memory_space<hbm>>
      %dma_wait3A_105 = tpu.memref_squeeze %dma_wait3A_104 : memref<1x1x1x50x100xi32, #tpu.memory_space<hbm>> -> memref<50x100xi32, #tpu.memory_space<hbm>>
      tpu.wait_dma2 semaphore(%run_scoped3A_89 : memref<!tpu.dma_semaphore, #tpu.memory_space<semaphore_mem>>) src(%dma_wait3A_105 : memref<50x100xi32, #tpu.memory_space<hbm>>) dst(%arg6 : memref<50x100xi32, #tpu.memory_space<vmem>>)
      tpu.yield
    }) : () -> ()
    %dma_start3A = arith.constant 0 : i32
    %dma_start3A_26 = arith.constant 0 : i32
    %dma_start3A_27 = tpu.memref_slice %arg5[%dma_start3A, %dma_start3A_26] : memref<50x100xi32, #tpu.memory_space<vmem>> -> memref<1x100xi32, #tpu.memory_space<vmem>>
    %dma_start3A_28 = tpu.memref_squeeze %dma_start3A_27 : memref<1x100xi32, #tpu.memory_space<vmem>> -> memref<100xi32, #tpu.memory_space<vmem>>
    %dma_start3A_29 = arith.constant 0 : i32
    %dma_start3A_30 = arith.constant 0 : i32
    %dma_start3A_31 = tpu.memref_slice %arg2[%dma_start3A_29, %dma_start3A_30] : memref<10000x128xf32, #tpu.memory_space<hbm>> -> memref<10000x128xf32, #tpu.memory_space<hbm>>
    tpu.enqueue_indirect_dma source(%dma_start3A_31 : memref<10000x128xf32, #tpu.memory_space<hbm>>) target(%arg7 : memref<100x128xf32, #tpu.memory_space<vmem>>) offsets(%dma_start3A_28 : memref<100xi32, #tpu.memory_space<vmem>>) semaphore(%arg10 : memref<!tpu.dma_semaphore, #tpu.memory_space<semaphore_mem>>)
    %scan3A_32 = arith.constant 0 : i32
    %scan3A_33 = arith.constant 0 : i32
    %scan3A_34 = arith.constant 25 : i32
    %scan3A_35 = arith.addi %scan3A_33, %scan3A_34 : i32
    %scan3A_36 = arith.constant 1 : i32
    %scan3A_37 = scf.for %scan3A_89 = %scan3A_33 to %scan3A_35 step %scan3A_36 iter_args(%scan3A_90 = %scan3A_32) -> (i32)  : i32 {
      %mul3A_91 = arith.constant 2 : i32
      %mul3A_92 = arith.muli %scan3A_89, %mul3A_91 : i32
      %add3A_93 = arith.constant 0 : i32
      %add3A_94 = arith.addi %mul3A_92, %add3A_93 : i32
      %add3A_95 = arith.constant 1 : i32
      %add3A_96 = arith.addi %add3A_94, %add3A_95 : i32
      %lt3A = arith.constant 50 : i32
      %lt3A_97 = arith.cmpi slt, %add3A_96, %lt3A : i32
      %convert_element_type3A = arith.extui %lt3A_97 : i1 to i32
      %cond3A = arith.constant 0 : i32
      %cond3A_98 = arith.cmpi ne, %convert_element_type3A, %cond3A : i32
      scf.if %cond3A_98 {
        %ge3A = arith.constant 1 : i32
        %ge3A_137 = arith.cmpi sge, %add3A_94, %ge3A : i32
        %convert_element_type3A_138 = arith.extui %ge3A_137 : i1 to i32
        %cond3A_139 = arith.constant 0 : i32
        %cond3A_140 = arith.cmpi ne, %convert_element_type3A_138, %cond3A_139 : i32
        scf.if %cond3A_140 {
          %dma_wait3A_149 = arith.constant 0 : i32
          %dma_wait3A_150 = arith.constant 0 : i32
          %dma_wait3A_151 = tpu.memref_slice %arg6[%dma_wait3A_149, %dma_wait3A_150] : memref<50x100xi32, #tpu.memory_space<vmem>> -> memref<1x100xi32, #tpu.memory_space<vmem>>
          %dma_wait3A_152 = tpu.memref_squeeze %dma_wait3A_151 : memref<1x100xi32, #tpu.memory_space<vmem>> -> memref<100xi32, #tpu.memory_space<vmem>>
          %dma_wait3A_153 = arith.constant 0 : i32
          %dma_wait3A_154 = arith.constant 0 : i32
          %dma_wait3A_155 = tpu.memref_slice %arg9[%dma_wait3A_153, %dma_wait3A_154] : memref<10240x128xf32, #tpu.memory_space<vmem_shared>> -> memref<10240x128xf32, #tpu.memory_space<vmem_shared>>
          tpu.wait_indirect_dma semaphore(%arg13 : memref<!tpu.dma_semaphore, #tpu.memory_space<semaphore_mem>>) src(%arg8 : memref<100x128xf32, #tpu.memory_space<vmem>>) dst(%dma_wait3A_155 : memref<10240x128xf32, #tpu.memory_space<vmem_shared>>)
        } else {
        }
        %add3A_141 = arith.constant 1 : i32
        %add3A_142 = arith.addi %add3A_94, %add3A_141 : i32
        %dma_start3A_143 = arith.constant 0 : i32
        %dma_start3A_144 = tpu.memref_slice %arg5[%add3A_142, %dma_start3A_143] : memref<50x100xi32, #tpu.memory_space<vmem>> -> memref<1x100xi32, #tpu.memory_space<vmem>>
        %dma_start3A_145 = tpu.memref_squeeze %dma_start3A_144 : memref<1x100xi32, #tpu.memory_space<vmem>> -> memref<100xi32, #tpu.memory_space<vmem>>
        %dma_start3A_146 = arith.constant 0 : i32
        %dma_start3A_147 = arith.constant 0 : i32
        %dma_start3A_148 = tpu.memref_slice %arg2[%dma_start3A_146, %dma_start3A_147] : memref<10000x128xf32, #tpu.memory_space<hbm>> -> memref<10000x128xf32, #tpu.memory_space<hbm>>
        tpu.enqueue_indirect_dma source(%dma_start3A_148 : memref<10000x128xf32, #tpu.memory_space<hbm>>) target(%arg8 : memref<100x128xf32, #tpu.memory_space<vmem>>) offsets(%dma_start3A_145 : memref<100xi32, #tpu.memory_space<vmem>>) semaphore(%arg11 : memref<!tpu.dma_semaphore, #tpu.memory_space<semaphore_mem>>)
      } else {
      }
      %dma_wait3A_99 = arith.constant 0 : i32
      %dma_wait3A_100 = arith.constant 0 : i32
      %dma_wait3A_101 = tpu.memref_slice %arg5[%dma_wait3A_99, %dma_wait3A_100] : memref<50x100xi32, #tpu.memory_space<vmem>> -> memref<1x100xi32, #tpu.memory_space<vmem>>
      %dma_wait3A_102 = tpu.memref_squeeze %dma_wait3A_101 : memref<1x100xi32, #tpu.memory_space<vmem>> -> memref<100xi32, #tpu.memory_space<vmem>>
      %dma_wait3A_103 = arith.constant 0 : i32
      %dma_wait3A_104 = arith.constant 0 : i32
      %dma_wait3A_105 = tpu.memref_slice %arg2[%dma_wait3A_103, %dma_wait3A_104] : memref<10000x128xf32, #tpu.memory_space<hbm>> -> memref<10000x128xf32, #tpu.memory_space<hbm>>
      tpu.wait_indirect_dma semaphore(%arg10 : memref<!tpu.dma_semaphore, #tpu.memory_space<semaphore_mem>>) src(%dma_wait3A_105 : memref<10000x128xf32, #tpu.memory_space<hbm>>) dst(%arg7 : memref<100x128xf32, #tpu.memory_space<vmem>>)
      %dma_start3A_106 = arith.constant 0 : i32
      %dma_start3A_107 = tpu.memref_slice %arg6[%add3A_94, %dma_start3A_106] : memref<50x100xi32, #tpu.memory_space<vmem>> -> memref<1x100xi32, #tpu.memory_space<vmem>>
      %dma_start3A_108 = tpu.memref_squeeze %dma_start3A_107 : memref<1x100xi32, #tpu.memory_space<vmem>> -> memref<100xi32, #tpu.memory_space<vmem>>
      %dma_start3A_109 = arith.constant 0 : i32
      %dma_start3A_110 = arith.constant 0 : i32
      %dma_start3A_111 = tpu.memref_slice %arg9[%dma_start3A_109, %dma_start3A_110] : memref<10240x128xf32, #tpu.memory_space<vmem_shared>> -> memref<10240x128xf32, #tpu.memory_space<vmem_shared>>
      tpu.enqueue_indirect_dma source(%arg7 : memref<100x128xf32, #tpu.memory_space<vmem>>) target(%dma_start3A_111 : memref<10240x128xf32, #tpu.memory_space<vmem_shared>>) offsets(%dma_start3A_108 : memref<100xi32, #tpu.memory_space<vmem>>) semaphore(%arg12 : memref<!tpu.dma_semaphore, #tpu.memory_space<semaphore_mem>>) {add = true}
      %mul3A_112 = arith.constant 2 : i32
      %mul3A_113 = arith.muli %scan3A_89, %mul3A_112 : i32
      %add3A_114 = arith.constant 1 : i32
      %add3A_115 = arith.addi %mul3A_113, %add3A_114 : i32
      %add3A_116 = arith.constant 1 : i32
      %add3A_117 = arith.addi %add3A_115, %add3A_116 : i32
      %lt3A_118 = arith.constant 50 : i32
      %lt3A_119 = arith.cmpi slt, %add3A_117, %lt3A_118 : i32
      %convert_element_type3A_120 = arith.extui %lt3A_119 : i1 to i32
      %cond3A_121 = arith.constant 0 : i32
      %cond3A_122 = arith.cmpi ne, %convert_element_type3A_120, %cond3A_121 : i32
      scf.if %cond3A_122 {
        %ge3A = arith.constant 1 : i32
        %ge3A_137 = arith.cmpi sge, %add3A_115, %ge3A : i32
        %convert_element_type3A_138 = arith.extui %ge3A_137 : i1 to i32
        %cond3A_139 = arith.constant 0 : i32
        %cond3A_140 = arith.cmpi ne, %convert_element_type3A_138, %cond3A_139 : i32
        scf.if %cond3A_140 {
          %dma_wait3A_149 = arith.constant 0 : i32
          %dma_wait3A_150 = arith.constant 0 : i32
          %dma_wait3A_151 = tpu.memref_slice %arg6[%dma_wait3A_149, %dma_wait3A_150] : memref<50x100xi32, #tpu.memory_space<vmem>> -> memref<1x100xi32, #tpu.memory_space<vmem>>
          %dma_wait3A_152 = tpu.memref_squeeze %dma_wait3A_151 : memref<1x100xi32, #tpu.memory_space<vmem>> -> memref<100xi32, #tpu.memory_space<vmem>>
          %dma_wait3A_153 = arith.constant 0 : i32
          %dma_wait3A_154 = arith.constant 0 : i32
          %dma_wait3A_155 = tpu.memref_slice %arg9[%dma_wait3A_153, %dma_wait3A_154] : memref<10240x128xf32, #tpu.memory_space<vmem_shared>> -> memref<10240x128xf32, #tpu.memory_space<vmem_shared>>
          tpu.wait_indirect_dma semaphore(%arg12 : memref<!tpu.dma_semaphore, #tpu.memory_space<semaphore_mem>>) src(%arg7 : memref<100x128xf32, #tpu.memory_space<vmem>>) dst(%dma_wait3A_155 : memref<10240x128xf32, #tpu.memory_space<vmem_shared>>)
        } else {
        }
        %add3A_141 = arith.constant 1 : i32
        %add3A_142 = arith.addi %add3A_115, %add3A_141 : i32
        %dma_start3A_143 = arith.constant 0 : i32
        %dma_start3A_144 = tpu.memref_slice %arg5[%add3A_142, %dma_start3A_143] : memref<50x100xi32, #tpu.memory_space<vmem>> -> memref<1x100xi32, #tpu.memory_space<vmem>>
        %dma_start3A_145 = tpu.memref_squeeze %dma_start3A_144 : memref<1x100xi32, #tpu.memory_space<vmem>> -> memref<100xi32, #tpu.memory_space<vmem>>
        %dma_start3A_146 = arith.constant 0 : i32
        %dma_start3A_147 = arith.constant 0 : i32
        %dma_start3A_148 = tpu.memref_slice %arg2[%dma_start3A_146, %dma_start3A_147] : memref<10000x128xf32, #tpu.memory_space<hbm>> -> memref<10000x128xf32, #tpu.memory_space<hbm>>
        tpu.enqueue_indirect_dma source(%dma_start3A_148 : memref<10000x128xf32, #tpu.memory_space<hbm>>) target(%arg7 : memref<100x128xf32, #tpu.memory_space<vmem>>) offsets(%dma_start3A_145 : memref<100xi32, #tpu.memory_space<vmem>>) semaphore(%arg10 : memref<!tpu.dma_semaphore, #tpu.memory_space<semaphore_mem>>)
      } else {
      }
      %dma_wait3A_123 = arith.constant 0 : i32
      %dma_wait3A_124 = arith.constant 0 : i32
      %dma_wait3A_125 = tpu.memref_slice %arg5[%dma_wait3A_123, %dma_wait3A_124] : memref<50x100xi32, #tpu.memory_space<vmem>> -> memref<1x100xi32, #tpu.memory_space<vmem>>
      %dma_wait3A_126 = tpu.memref_squeeze %dma_wait3A_125 : memref<1x100xi32, #tpu.memory_space<vmem>> -> memref<100xi32, #tpu.memory_space<vmem>>
      %dma_wait3A_127 = arith.constant 0 : i32
      %dma_wait3A_128 = arith.constant 0 : i32
      %dma_wait3A_129 = tpu.memref_slice %arg2[%dma_wait3A_127, %dma_wait3A_128] : memref<10000x128xf32, #tpu.memory_space<hbm>> -> memref<10000x128xf32, #tpu.memory_space<hbm>>
      tpu.wait_indirect_dma semaphore(%arg11 : memref<!tpu.dma_semaphore, #tpu.memory_space<semaphore_mem>>) src(%dma_wait3A_129 : memref<10000x128xf32, #tpu.memory_space<hbm>>) dst(%arg8 : memref<100x128xf32, #tpu.memory_space<vmem>>)
      %dma_start3A_130 = arith.constant 0 : i32
      %dma_start3A_131 = tpu.memref_slice %arg6[%add3A_115, %dma_start3A_130] : memref<50x100xi32, #tpu.memory_space<vmem>> -> memref<1x100xi32, #tpu.memory_space<vmem>>
      %dma_start3A_132 = tpu.memref_squeeze %dma_start3A_131 : memref<1x100xi32, #tpu.memory_space<vmem>> -> memref<100xi32, #tpu.memory_space<vmem>>
      %dma_start3A_133 = arith.constant 0 : i32
      %dma_start3A_134 = arith.constant 0 : i32
      %dma_start3A_135 = tpu.memref_slice %arg9[%dma_start3A_133, %dma_start3A_134] : memref<10240x128xf32, #tpu.memory_space<vmem_shared>> -> memref<10240x128xf32, #tpu.memory_space<vmem_shared>>
      tpu.enqueue_indirect_dma source(%arg8 : memref<100x128xf32, #tpu.memory_space<vmem>>) target(%dma_start3A_135 : memref<10240x128xf32, #tpu.memory_space<vmem_shared>>) offsets(%dma_start3A_132 : memref<100xi32, #tpu.memory_space<vmem>>) semaphore(%arg13 : memref<!tpu.dma_semaphore, #tpu.memory_space<semaphore_mem>>) {add = true}
      %scan3A_136 = arith.constant 0 : i32
      scf.yield %scan3A_136 : i32
    }
    %scan3A_38 = arith.constant 25 : i32
    %dma_wait3A = arith.constant 0 : i32
    %dma_wait3A_39 = arith.constant 0 : i32
    %dma_wait3A_40 = tpu.memref_slice %arg6[%dma_wait3A, %dma_wait3A_39] : memref<50x100xi32, #tpu.memory_space<vmem>> -> memref<1x100xi32, #tpu.memory_space<vmem>>
    %dma_wait3A_41 = tpu.memref_squeeze %dma_wait3A_40 : memref<1x100xi32, #tpu.memory_space<vmem>> -> memref<100xi32, #tpu.memory_space<vmem>>
    %dma_wait3A_42 = arith.constant 0 : i32
    %dma_wait3A_43 = arith.constant 0 : i32
    %dma_wait3A_44 = tpu.memref_slice %arg9[%dma_wait3A_42, %dma_wait3A_43] : memref<10240x128xf32, #tpu.memory_space<vmem_shared>> -> memref<10240x128xf32, #tpu.memory_space<vmem_shared>>
    tpu.wait_indirect_dma semaphore(%arg12 : memref<!tpu.dma_semaphore, #tpu.memory_space<semaphore_mem>>) src(%arg7 : memref<100x128xf32, #tpu.memory_space<vmem>>) dst(%dma_wait3A_44 : memref<10240x128xf32, #tpu.memory_space<vmem_shared>>)
    %dma_wait3A_45 = arith.constant 0 : i32
    %dma_wait3A_46 = arith.constant 0 : i32
    %dma_wait3A_47 = tpu.memref_slice %arg6[%dma_wait3A_45, %dma_wait3A_46] : memref<50x100xi32, #tpu.memory_space<vmem>> -> memref<1x100xi32, #tpu.memory_space<vmem>>
    %dma_wait3A_48 = tpu.memref_squeeze %dma_wait3A_47 : memref<1x100xi32, #tpu.memory_space<vmem>> -> memref<100xi32, #tpu.memory_space<vmem>>
    %dma_wait3A_49 = arith.constant 0 : i32
    %dma_wait3A_50 = arith.constant 0 : i32
    %dma_wait3A_51 = tpu.memref_slice %arg9[%dma_wait3A_49, %dma_wait3A_50] : memref<10240x128xf32, #tpu.memory_space<vmem_shared>> -> memref<10240x128xf32, #tpu.memory_space<vmem_shared>>
    tpu.wait_indirect_dma semaphore(%arg13 : memref<!tpu.dma_semaphore, #tpu.memory_space<semaphore_mem>>) src(%arg8 : memref<100x128xf32, #tpu.memory_space<vmem>>) dst(%dma_wait3A_51 : memref<10240x128xf32, #tpu.memory_space<vmem_shared>>)
    %run_scoped3A_52 = arith.constant 0 : i32
    %run_scoped3A_53 = arith.constant 1 : i32
    "tpu.region"() ({
      %run_scoped3A_89 = tpu.sem_alloc : memref<!tpu.dma_semaphore, #tpu.memory_space<semaphore_mem>>
      %dma_start3A_90 = arith.constant 0 : i32
      %dma_start3A_91 = arith.constant 0 : i32
      %dma_start3A_92 = tpu.memref_slice %arg3[%run_scoped3A_52, %add3A, %run_scoped3A_53, %dma_start3A_90, %dma_start3A_91] : memref<2x32x2x50x100xi32, #tpu.memory_space<hbm>> -> memref<1x1x1x50x100xi32, #tpu.memory_space<hbm>>
      %dma_start3A_93 = tpu.memref_squeeze %dma_start3A_92 : memref<1x1x1x50x100xi32, #tpu.memory_space<hbm>> -> memref<50x100xi32, #tpu.memory_space<hbm>>
      %dma_start3A_94 = arith.constant 0 : i32
      %dma_start3A_95 = arith.constant 0 : i32
      %dma_start3A_96 = tpu.memref_slice %arg3[%run_scoped3A_52, %add3A, %run_scoped3A_53, %dma_start3A_94, %dma_start3A_95] : memref<2x32x2x50x100xi32, #tpu.memory_space<hbm>> -> memref<1x1x1x50x100xi32, #tpu.memory_space<hbm>>
      %dma_start3A_97 = tpu.memref_squeeze %dma_start3A_96 : memref<1x1x1x50x100xi32, #tpu.memory_space<hbm>> -> memref<50x100xi32, #tpu.memory_space<hbm>>
      tpu.enqueue_dma source(%dma_start3A_97 : memref<50x100xi32, #tpu.memory_space<hbm>>) target(%arg5 : memref<50x100xi32, #tpu.memory_space<vmem>>) target_semaphore(%run_scoped3A_89 : memref<!tpu.dma_semaphore, #tpu.memory_space<semaphore_mem>>)
      %dma_wait3A_98 = arith.constant 0 : i32
      %dma_wait3A_99 = arith.constant 0 : i32
      %dma_wait3A_100 = tpu.memref_slice %arg3[%run_scoped3A_52, %add3A, %run_scoped3A_53, %dma_wait3A_98, %dma_wait3A_99] : memref<2x32x2x50x100xi32, #tpu.memory_space<hbm>> -> memref<1x1x1x50x100xi32, #tpu.memory_space<hbm>>
      %dma_wait3A_101 = tpu.memref_squeeze %dma_wait3A_100 : memref<1x1x1x50x100xi32, #tpu.memory_space<hbm>> -> memref<50x100xi32, #tpu.memory_space<hbm>>
      %dma_wait3A_102 = arith.constant 0 : i32
      %dma_wait3A_103 = arith.constant 0 : i32
      %dma_wait3A_104 = tpu.memref_slice %arg3[%run_scoped3A_52, %add3A, %run_scoped3A_53, %dma_wait3A_102, %dma_wait3A_103] : memref<2x32x2x50x100xi32, #tpu.memory_space<hbm>> -> memref<1x1x1x50x100xi32, #tpu.memory_space<hbm>>
      %dma_wait3A_105 = tpu.memref_squeeze %dma_wait3A_104 : memref<1x1x1x50x100xi32, #tpu.memory_space<hbm>> -> memref<50x100xi32, #tpu.memory_space<hbm>>
      tpu.wait_dma2 semaphore(%run_scoped3A_89 : memref<!tpu.dma_semaphore, #tpu.memory_space<semaphore_mem>>) src(%dma_wait3A_105 : memref<50x100xi32, #tpu.memory_space<hbm>>) dst(%arg5 : memref<50x100xi32, #tpu.memory_space<vmem>>)
      tpu.yield
    }) : () -> ()
    %run_scoped3A_54 = arith.constant 1 : i32
    %run_scoped3A_55 = arith.constant 1 : i32
    "tpu.region"() ({
      %run_scoped3A_89 = tpu.sem_alloc : memref<!tpu.dma_semaphore, #tpu.memory_space<semaphore_mem>>
      %dma_start3A_90 = arith.constant 0 : i32
      %dma_start3A_91 = arith.constant 0 : i32
      %dma_start3A_92 = tpu.memref_slice %arg3[%run_scoped3A_54, %add3A, %run_scoped3A_55, %dma_start3A_90, %dma_start3A_91] : memref<2x32x2x50x100xi32, #tpu.memory_space<hbm>> -> memref<1x1x1x50x100xi32, #tpu.memory_space<hbm>>
      %dma_start3A_93 = tpu.memref_squeeze %dma_start3A_92 : memref<1x1x1x50x100xi32, #tpu.memory_space<hbm>> -> memref<50x100xi32, #tpu.memory_space<hbm>>
      %dma_start3A_94 = arith.constant 0 : i32
      %dma_start3A_95 = arith.constant 0 : i32
      %dma_start3A_96 = tpu.memref_slice %arg3[%run_scoped3A_54, %add3A, %run_scoped3A_55, %dma_start3A_94, %dma_start3A_95] : memref<2x32x2x50x100xi32, #tpu.memory_space<hbm>> -> memref<1x1x1x50x100xi32, #tpu.memory_space<hbm>>
      %dma_start3A_97 = tpu.memref_squeeze %dma_start3A_96 : memref<1x1x1x50x100xi32, #tpu.memory_space<hbm>> -> memref<50x100xi32, #tpu.memory_space<hbm>>
      tpu.enqueue_dma source(%dma_start3A_97 : memref<50x100xi32, #tpu.memory_space<hbm>>) target(%arg6 : memref<50x100xi32, #tpu.memory_space<vmem>>) target_semaphore(%run_scoped3A_89 : memref<!tpu.dma_semaphore, #tpu.memory_space<semaphore_mem>>)
      %dma_wait3A_98 = arith.constant 0 : i32
      %dma_wait3A_99 = arith.constant 0 : i32
      %dma_wait3A_100 = tpu.memref_slice %arg3[%run_scoped3A_54, %add3A, %run_scoped3A_55, %dma_wait3A_98, %dma_wait3A_99] : memref<2x32x2x50x100xi32, #tpu.memory_space<hbm>> -> memref<1x1x1x50x100xi32, #tpu.memory_space<hbm>>
      %dma_wait3A_101 = tpu.memref_squeeze %dma_wait3A_100 : memref<1x1x1x50x100xi32, #tpu.memory_space<hbm>> -> memref<50x100xi32, #tpu.memory_space<hbm>>
      %dma_wait3A_102 = arith.constant 0 : i32
      %dma_wait3A_103 = arith.constant 0 : i32
      %dma_wait3A_104 = tpu.memref_slice %arg3[%run_scoped3A_54, %add3A, %run_scoped3A_55, %dma_wait3A_102, %dma_wait3A_103] : memref<2x32x2x50x100xi32, #tpu.memory_space<hbm>> -> memref<1x1x1x50x100xi32, #tpu.memory_space<hbm>>
      %dma_wait3A_105 = tpu.memref_squeeze %dma_wait3A_104 : memref<1x1x1x50x100xi32, #tpu.memory_space<hbm>> -> memref<50x100xi32, #tpu.memory_space<hbm>>
      tpu.wait_dma2 semaphore(%run_scoped3A_89 : memref<!tpu.dma_semaphore, #tpu.memory_space<semaphore_mem>>) src(%dma_wait3A_105 : memref<50x100xi32, #tpu.memory_space<hbm>>) dst(%arg6 : memref<50x100xi32, #tpu.memory_space<vmem>>)
      tpu.yield
    }) : () -> ()
    %dma_start3A_56 = arith.constant 0 : i32
    %dma_start3A_57 = arith.constant 0 : i32
    %dma_start3A_58 = tpu.memref_slice %arg5[%dma_start3A_56, %dma_start3A_57] : memref<50x100xi32, #tpu.memory_space<vmem>> -> memref<1x100xi32, #tpu.memory_space<vmem>>
    %dma_start3A_59 = tpu.memref_squeeze %dma_start3A_58 : memref<1x100xi32, #tpu.memory_space<vmem>> -> memref<100xi32, #tpu.memory_space<vmem>>
    %dma_start3A_60 = arith.constant 0 : i32
    %dma_start3A_61 = arith.constant 0 : i32
    %dma_start3A_62 = tpu.memref_slice %arg2[%dma_start3A_60, %dma_start3A_61] : memref<10000x128xf32, #tpu.memory_space<hbm>> -> memref<10000x128xf32, #tpu.memory_space<hbm>>
    tpu.enqueue_indirect_dma source(%dma_start3A_62 : memref<10000x128xf32, #tpu.memory_space<hbm>>) target(%arg7 : memref<100x128xf32, #tpu.memory_space<vmem>>) offsets(%dma_start3A_59 : memref<100xi32, #tpu.memory_space<vmem>>) semaphore(%arg10 : memref<!tpu.dma_semaphore, #tpu.memory_space<semaphore_mem>>)
    %scan3A_63 = arith.constant 0 : i32
    %scan3A_64 = arith.constant 0 : i32
    %scan3A_65 = arith.constant 25 : i32
    %scan3A_66 = arith.addi %scan3A_64, %scan3A_65 : i32
    %scan3A_67 = arith.constant 1 : i32
    %scan3A_68 = scf.for %scan3A_89 = %scan3A_64 to %scan3A_66 step %scan3A_67 iter_args(%scan3A_90 = %scan3A_63) -> (i32)  : i32 {
      %mul3A_91 = arith.constant 2 : i32
      %mul3A_92 = arith.muli %scan3A_89, %mul3A_91 : i32
      %add3A_93 = arith.constant 0 : i32
      %add3A_94 = arith.addi %mul3A_92, %add3A_93 : i32
      %add3A_95 = arith.constant 1 : i32
      %add3A_96 = arith.addi %add3A_94, %add3A_95 : i32
      %lt3A = arith.constant 50 : i32
      %lt3A_97 = arith.cmpi slt, %add3A_96, %lt3A : i32
      %convert_element_type3A = arith.extui %lt3A_97 : i1 to i32
      %cond3A = arith.constant 0 : i32
      %cond3A_98 = arith.cmpi ne, %convert_element_type3A, %cond3A : i32
      scf.if %cond3A_98 {
        %ge3A = arith.constant 1 : i32
        %ge3A_137 = arith.cmpi sge, %add3A_94, %ge3A : i32
        %convert_element_type3A_138 = arith.extui %ge3A_137 : i1 to i32
        %cond3A_139 = arith.constant 0 : i32
        %cond3A_140 = arith.cmpi ne, %convert_element_type3A_138, %cond3A_139 : i32
        scf.if %cond3A_140 {
          %dma_wait3A_149 = arith.constant 0 : i32
          %dma_wait3A_150 = arith.constant 0 : i32
          %dma_wait3A_151 = tpu.memref_slice %arg6[%dma_wait3A_149, %dma_wait3A_150] : memref<50x100xi32, #tpu.memory_space<vmem>> -> memref<1x100xi32, #tpu.memory_space<vmem>>
          %dma_wait3A_152 = tpu.memref_squeeze %dma_wait3A_151 : memref<1x100xi32, #tpu.memory_space<vmem>> -> memref<100xi32, #tpu.memory_space<vmem>>
          %dma_wait3A_153 = arith.constant 0 : i32
          %dma_wait3A_154 = arith.constant 0 : i32
          %dma_wait3A_155 = tpu.memref_slice %arg9[%dma_wait3A_153, %dma_wait3A_154] : memref<10240x128xf32, #tpu.memory_space<vmem_shared>> -> memref<10240x128xf32, #tpu.memory_space<vmem_shared>>
          tpu.wait_indirect_dma semaphore(%arg13 : memref<!tpu.dma_semaphore, #tpu.memory_space<semaphore_mem>>) src(%arg8 : memref<100x128xf32, #tpu.memory_space<vmem>>) dst(%dma_wait3A_155 : memref<10240x128xf32, #tpu.memory_space<vmem_shared>>)
        } else {
        }
        %add3A_141 = arith.constant 1 : i32
        %add3A_142 = arith.addi %add3A_94, %add3A_141 : i32
        %dma_start3A_143 = arith.constant 0 : i32
        %dma_start3A_144 = tpu.memref_slice %arg5[%add3A_142, %dma_start3A_143] : memref<50x100xi32, #tpu.memory_space<vmem>> -> memref<1x100xi32, #tpu.memory_space<vmem>>
        %dma_start3A_145 = tpu.memref_squeeze %dma_start3A_144 : memref<1x100xi32, #tpu.memory_space<vmem>> -> memref<100xi32, #tpu.memory_space<vmem>>
        %dma_start3A_146 = arith.constant 0 : i32
        %dma_start3A_147 = arith.constant 0 : i32
        %dma_start3A_148 = tpu.memref_slice %arg2[%dma_start3A_146, %dma_start3A_147] : memref<10000x128xf32, #tpu.memory_space<hbm>> -> memref<10000x128xf32, #tpu.memory_space<hbm>>
        tpu.enqueue_indirect_dma source(%dma_start3A_148 : memref<10000x128xf32, #tpu.memory_space<hbm>>) target(%arg8 : memref<100x128xf32, #tpu.memory_space<vmem>>) offsets(%dma_start3A_145 : memref<100xi32, #tpu.memory_space<vmem>>) semaphore(%arg11 : memref<!tpu.dma_semaphore, #tpu.memory_space<semaphore_mem>>)
      } else {
      }
      %dma_wait3A_99 = arith.constant 0 : i32
      %dma_wait3A_100 = arith.constant 0 : i32
      %dma_wait3A_101 = tpu.memref_slice %arg5[%dma_wait3A_99, %dma_wait3A_100] : memref<50x100xi32, #tpu.memory_space<vmem>> -> memref<1x100xi32, #tpu.memory_space<vmem>>
      %dma_wait3A_102 = tpu.memref_squeeze %dma_wait3A_101 : memref<1x100xi32, #tpu.memory_space<vmem>> -> memref<100xi32, #tpu.memory_space<vmem>>
      %dma_wait3A_103 = arith.constant 0 : i32
      %dma_wait3A_104 = arith.constant 0 : i32
      %dma_wait3A_105 = tpu.memref_slice %arg2[%dma_wait3A_103, %dma_wait3A_104] : memref<10000x128xf32, #tpu.memory_space<hbm>> -> memref<10000x128xf32, #tpu.memory_space<hbm>>
      tpu.wait_indirect_dma semaphore(%arg10 : memref<!tpu.dma_semaphore, #tpu.memory_space<semaphore_mem>>) src(%dma_wait3A_105 : memref<10000x128xf32, #tpu.memory_space<hbm>>) dst(%arg7 : memref<100x128xf32, #tpu.memory_space<vmem>>)
      %dma_start3A_106 = arith.constant 0 : i32
      %dma_start3A_107 = tpu.memref_slice %arg6[%add3A_94, %dma_start3A_106] : memref<50x100xi32, #tpu.memory_space<vmem>> -> memref<1x100xi32, #tpu.memory_space<vmem>>
      %dma_start3A_108 = tpu.memref_squeeze %dma_start3A_107 : memref<1x100xi32, #tpu.memory_space<vmem>> -> memref<100xi32, #tpu.memory_space<vmem>>
      %dma_start3A_109 = arith.constant 0 : i32
      %dma_start3A_110 = arith.constant 0 : i32
      %dma_start3A_111 = tpu.memref_slice %arg9[%dma_start3A_109, %dma_start3A_110] : memref<10240x128xf32, #tpu.memory_space<vmem_shared>> -> memref<10240x128xf32, #tpu.memory_space<vmem_shared>>
      tpu.enqueue_indirect_dma source(%arg7 : memref<100x128xf32, #tpu.memory_space<vmem>>) target(%dma_start3A_111 : memref<10240x128xf32, #tpu.memory_space<vmem_shared>>) offsets(%dma_start3A_108 : memref<100xi32, #tpu.memory_space<vmem>>) semaphore(%arg12 : memref<!tpu.dma_semaphore, #tpu.memory_space<semaphore_mem>>) {add = true}
      %mul3A_112 = arith.constant 2 : i32
      %mul3A_113 = arith.muli %scan3A_89, %mul3A_112 : i32
      %add3A_114 = arith.constant 1 : i32
      %add3A_115 = arith.addi %mul3A_113, %add3A_114 : i32
      %add3A_116 = arith.constant 1 : i32
      %add3A_117 = arith.addi %add3A_115, %add3A_116 : i32
      %lt3A_118 = arith.constant 50 : i32
      %lt3A_119 = arith.cmpi slt, %add3A_117, %lt3A_118 : i32
      %convert_element_type3A_120 = arith.extui %lt3A_119 : i1 to i32
      %cond3A_121 = arith.constant 0 : i32
      %cond3A_122 = arith.cmpi ne, %convert_element_type3A_120, %cond3A_121 : i32
      scf.if %cond3A_122 {
        %ge3A = arith.constant 1 : i32
        %ge3A_137 = arith.cmpi sge, %add3A_115, %ge3A : i32
        %convert_element_type3A_138 = arith.extui %ge3A_137 : i1 to i32
        %cond3A_139 = arith.constant 0 : i32
        %cond3A_140 = arith.cmpi ne, %convert_element_type3A_138, %cond3A_139 : i32
        scf.if %cond3A_140 {
          %dma_wait3A_149 = arith.constant 0 : i32
          %dma_wait3A_150 = arith.constant 0 : i32
          %dma_wait3A_151 = tpu.memref_slice %arg6[%dma_wait3A_149, %dma_wait3A_150] : memref<50x100xi32, #tpu.memory_space<vmem>> -> memref<1x100xi32, #tpu.memory_space<vmem>>
          %dma_wait3A_152 = tpu.memref_squeeze %dma_wait3A_151 : memref<1x100xi32, #tpu.memory_space<vmem>> -> memref<100xi32, #tpu.memory_space<vmem>>
          %dma_wait3A_153 = arith.constant 0 : i32
          %dma_wait3A_154 = arith.constant 0 : i32
          %dma_wait3A_155 = tpu.memref_slice %arg9[%dma_wait3A_153, %dma_wait3A_154] : memref<10240x128xf32, #tpu.memory_space<vmem_shared>> -> memref<10240x128xf32, #tpu.memory_space<vmem_shared>>
          tpu.wait_indirect_dma semaphore(%arg12 : memref<!tpu.dma_semaphore, #tpu.memory_space<semaphore_mem>>) src(%arg7 : memref<100x128xf32, #tpu.memory_space<vmem>>) dst(%dma_wait3A_155 : memref<10240x128xf32, #tpu.memory_space<vmem_shared>>)
        } else {
        }
        %add3A_141 = arith.constant 1 : i32
        %add3A_142 = arith.addi %add3A_115, %add3A_141 : i32
        %dma_start3A_143 = arith.constant 0 : i32
        %dma_start3A_144 = tpu.memref_slice %arg5[%add3A_142, %dma_start3A_143] : memref<50x100xi32, #tpu.memory_space<vmem>> -> memref<1x100xi32, #tpu.memory_space<vmem>>
        %dma_start3A_145 = tpu.memref_squeeze %dma_start3A_144 : memref<1x100xi32, #tpu.memory_space<vmem>> -> memref<100xi32, #tpu.memory_space<vmem>>
        %dma_start3A_146 = arith.constant 0 : i32
        %dma_start3A_147 = arith.constant 0 : i32
        %dma_start3A_148 = tpu.memref_slice %arg2[%dma_start3A_146, %dma_start3A_147] : memref<10000x128xf32, #tpu.memory_space<hbm>> -> memref<10000x128xf32, #tpu.memory_space<hbm>>
        tpu.enqueue_indirect_dma source(%dma_start3A_148 : memref<10000x128xf32, #tpu.memory_space<hbm>>) target(%arg7 : memref<100x128xf32, #tpu.memory_space<vmem>>) offsets(%dma_start3A_145 : memref<100xi32, #tpu.memory_space<vmem>>) semaphore(%arg10 : memref<!tpu.dma_semaphore, #tpu.memory_space<semaphore_mem>>)
      } else {
      }
      %dma_wait3A_123 = arith.constant 0 : i32
      %dma_wait3A_124 = arith.constant 0 : i32
      %dma_wait3A_125 = tpu.memref_slice %arg5[%dma_wait3A_123, %dma_wait3A_124] : memref<50x100xi32, #tpu.memory_space<vmem>> -> memref<1x100xi32, #tpu.memory_space<vmem>>
      %dma_wait3A_126 = tpu.memref_squeeze %dma_wait3A_125 : memref<1x100xi32, #tpu.memory_space<vmem>> -> memref<100xi32, #tpu.memory_space<vmem>>
      %dma_wait3A_127 = arith.constant 0 : i32
      %dma_wait3A_128 = arith.constant 0 : i32
      %dma_wait3A_129 = tpu.memref_slice %arg2[%dma_wait3A_127, %dma_wait3A_128] : memref<10000x128xf32, #tpu.memory_space<hbm>> -> memref<10000x128xf32, #tpu.memory_space<hbm>>
      tpu.wait_indirect_dma semaphore(%arg11 : memref<!tpu.dma_semaphore, #tpu.memory_space<semaphore_mem>>) src(%dma_wait3A_129 : memref<10000x128xf32, #tpu.memory_space<hbm>>) dst(%arg8 : memref<100x128xf32, #tpu.memory_space<vmem>>)
      %dma_start3A_130 = arith.constant 0 : i32
      %dma_start3A_131 = tpu.memref_slice %arg6[%add3A_115, %dma_start3A_130] : memref<50x100xi32, #tpu.memory_space<vmem>> -> memref<1x100xi32, #tpu.memory_space<vmem>>
      %dma_start3A_132 = tpu.memref_squeeze %dma_start3A_131 : memref<1x100xi32, #tpu.memory_space<vmem>> -> memref<100xi32, #tpu.memory_space<vmem>>
      %dma_start3A_133 = arith.constant 0 : i32
      %dma_start3A_134 = arith.constant 0 : i32
      %dma_start3A_135 = tpu.memref_slice %arg9[%dma_start3A_133, %dma_start3A_134] : memref<10240x128xf32, #tpu.memory_space<vmem_shared>> -> memref<10240x128xf32, #tpu.memory_space<vmem_shared>>
      tpu.enqueue_indirect_dma source(%arg8 : memref<100x128xf32, #tpu.memory_space<vmem>>) target(%dma_start3A_135 : memref<10240x128xf32, #tpu.memory_space<vmem_shared>>) offsets(%dma_start3A_132 : memref<100xi32, #tpu.memory_space<vmem>>) semaphore(%arg13 : memref<!tpu.dma_semaphore, #tpu.memory_space<semaphore_mem>>) {add = true}
      %scan3A_136 = arith.constant 0 : i32
      scf.yield %scan3A_136 : i32
    }
    %scan3A_69 = arith.constant 25 : i32
    %dma_wait3A_70 = arith.constant 0 : i32
    %dma_wait3A_71 = arith.constant 0 : i32
    %dma_wait3A_72 = tpu.memref_slice %arg6[%dma_wait3A_70, %dma_wait3A_71] : memref<50x100xi32, #tpu.memory_space<vmem>> -> memref<1x100xi32, #tpu.memory_space<vmem>>
    %dma_wait3A_73 = tpu.memref_squeeze %dma_wait3A_72 : memref<1x100xi32, #tpu.memory_space<vmem>> -> memref<100xi32, #tpu.memory_space<vmem>>
    %dma_wait3A_74 = arith.constant 0 : i32
    %dma_wait3A_75 = arith.constant 0 : i32
    %dma_wait3A_76 = tpu.memref_slice %arg9[%dma_wait3A_74, %dma_wait3A_75] : memref<10240x128xf32, #tpu.memory_space<vmem_shared>> -> memref<10240x128xf32, #tpu.memory_space<vmem_shared>>
    tpu.wait_indirect_dma semaphore(%arg12 : memref<!tpu.dma_semaphore, #tpu.memory_space<semaphore_mem>>) src(%arg7 : memref<100x128xf32, #tpu.memory_space<vmem>>) dst(%dma_wait3A_76 : memref<10240x128xf32, #tpu.memory_space<vmem_shared>>)
    %dma_wait3A_77 = arith.constant 0 : i32
    %dma_wait3A_78 = arith.constant 0 : i32
    %dma_wait3A_79 = tpu.memref_slice %arg6[%dma_wait3A_77, %dma_wait3A_78] : memref<50x100xi32, #tpu.memory_space<vmem>> -> memref<1x100xi32, #tpu.memory_space<vmem>>
    %dma_wait3A_80 = tpu.memref_squeeze %dma_wait3A_79 : memref<1x100xi32, #tpu.memory_space<vmem>> -> memref<100xi32, #tpu.memory_space<vmem>>
    %dma_wait3A_81 = arith.constant 0 : i32
    %dma_wait3A_82 = arith.constant 0 : i32
    %dma_wait3A_83 = tpu.memref_slice %arg9[%dma_wait3A_81, %dma_wait3A_82] : memref<10240x128xf32, #tpu.memory_space<vmem_shared>> -> memref<10240x128xf32, #tpu.memory_space<vmem_shared>>
    tpu.wait_indirect_dma semaphore(%arg13 : memref<!tpu.dma_semaphore, #tpu.memory_space<semaphore_mem>>) src(%arg8 : memref<100x128xf32, #tpu.memory_space<vmem>>) dst(%dma_wait3A_83 : memref<10240x128xf32, #tpu.memory_space<vmem_shared>>)
    %barrier3A_84 = arith.constant 0 : index
    tpu.barrier barrier_id(%barrier3A_84)
    %mul3A_85 = arith.constant 640 : i32
    %mul3A_86 = arith.muli %arg1, %mul3A_85 : i32
    %mul3A_87 = arith.constant 640 : i32
    %mul3A_88 = arith.muli %arg1, %mul3A_87 : i32
    "tpu.region"() ({
      %run_scoped3A_89 = tpu.sem_alloc : memref<!tpu.dma_semaphore, #tpu.memory_space<semaphore_mem>>
      %dma_start3A_90 = arith.constant 0 : i32
      %dma_start3A_91 = tpu.memref_slice %arg4[%arg0, %mul3A_88, %dma_start3A_90] : memref<2x10240x128xf32, #tpu.memory_space<hbm>> -> memref<1x640x128xf32, #tpu.memory_space<hbm>>
      %dma_start3A_92 = tpu.memref_squeeze %dma_start3A_91 : memref<1x640x128xf32, #tpu.memory_space<hbm>> -> memref<640x128xf32, #tpu.memory_space<hbm>>
      %dma_start3A_93 = arith.constant 0 : i32
      %dma_start3A_94 = tpu.memref_slice %arg9[%mul3A_86, %dma_start3A_93] : memref<10240x128xf32, #tpu.memory_space<vmem_shared>> -> memref<640x128xf32, #tpu.memory_space<vmem_shared>>
      tpu.enqueue_dma source(%dma_start3A_94 : memref<640x128xf32, #tpu.memory_space<vmem_shared>>) target(%dma_start3A_92 : memref<640x128xf32, #tpu.memory_space<hbm>>) target_semaphore(%run_scoped3A_89 : memref<!tpu.dma_semaphore, #tpu.memory_space<semaphore_mem>>)
      %dma_wait3A_95 = arith.constant 0 : i32
      %dma_wait3A_96 = tpu.memref_slice %arg4[%arg0, %mul3A_88, %dma_wait3A_95] : memref<2x10240x128xf32, #tpu.memory_space<hbm>> -> memref<1x640x128xf32, #tpu.memory_space<hbm>>
      %dma_wait3A_97 = tpu.memref_squeeze %dma_wait3A_96 : memref<1x640x128xf32, #tpu.memory_space<hbm>> -> memref<640x128xf32, #tpu.memory_space<hbm>>
      %dma_wait3A_98 = arith.constant 0 : i32
      %dma_wait3A_99 = tpu.memref_slice %arg9[%mul3A_86, %dma_wait3A_98] : memref<10240x128xf32, #tpu.memory_space<vmem_shared>> -> memref<640x128xf32, #tpu.memory_space<vmem_shared>>
      tpu.wait_dma2 semaphore(%run_scoped3A_89 : memref<!tpu.dma_semaphore, #tpu.memory_space<semaphore_mem>>) src(%dma_wait3A_99 : memref<640x128xf32, #tpu.memory_space<vmem_shared>>) dst(%dma_wait3A_97 : memref<640x128xf32, #tpu.memory_space<hbm>>)
      tpu.yield
    }) : () -> ()
    return
  }
}

module attributes {stable_mosaic.version = 14 : i64} {
  func.func @_mm1_body(%arg0: memref<10000x128xf32, #tpu.memory_space<vmem>>, %arg1: memref<128x128xf32, #tpu.memory_space<vmem>>, %arg2: memref<10000x32xf32, #tpu.memory_space<vmem>>, %arg3: memref<10000x128xf32, #tpu.memory_space<vmem>>, %arg4: memref<10000x1xf32, #tpu.memory_space<vmem>>) attributes {dimension_semantics = [], scalar_prefetch = 0 : i64, scratch_operands = 0 : i64, tpu.core_type = #tpu.core_type<tc>} {
    %get3A = arith.constant 0 : index
    %get3A_0 = arith.constant 0 : index
    %get3A_1 = vector.load %arg2[%get3A, %get3A_0] : memref<10000x32xf32, #tpu.memory_space<vmem>>, vector<10000x32xf32>
    %reduce_sum3A = arith.constant dense<0.000000e+00> : vector<10000xf32>
    %reduce_sum3A_2 = vector.multi_reduction <add>, %get3A_1, %reduce_sum3A [1] : vector<10000x32xf32> to vector<10000xf32>
    %broadcast_in_dim3A = vector.shape_cast %reduce_sum3A_2 : vector<10000xf32> to vector<10000x1xf32>
    %add3A = arith.constant 1.000000e+00 : f32
    %add3A_3 = vector.broadcast %add3A : f32 to vector<10000x1xf32>
    %add3A_4 = arith.addf %broadcast_in_dim3A, %add3A_3 : vector<10000x1xf32>
    %rsqrt3A = math.rsqrt %add3A_4 : vector<10000x1xf32>
    %get3A_5 = arith.constant 0 : index
    %get3A_6 = arith.constant 0 : index
    %get3A_7 = vector.load %arg0[%get3A_5, %get3A_6] : memref<10000x128xf32, #tpu.memory_space<vmem>>, vector<10000x128xf32>
    %get3A_8 = arith.constant 0 : index
    %get3A_9 = arith.constant 0 : index
    %get3A_10 = vector.load %arg1[%get3A_8, %get3A_9] : memref<128x128xf32, #tpu.memory_space<vmem>>, vector<128x128xf32>
    %dot_general3A = arith.constant dense<0.000000e+00> : vector<10000x128xf32>
    %dot_general3A_11 = tpu.matmul %get3A_7, %get3A_10, %dot_general3A {dimension_numbers = #tpu.dot_dimension_numbers<[1], [0], [0], [1], [0, 0, 1, 1], [], []>, transpose_lhs_hint = false} : vector<10000x128xf32>, vector<128x128xf32>, vector<10000x128xf32> -> vector<10000x128xf32>
    %mul3A = vector.broadcast %rsqrt3A : vector<10000x1xf32> to vector<10000x128xf32>
    %mul3A_12 = arith.mulf %dot_general3A_11, %mul3A : vector<10000x128xf32>
    %swap3A = arith.constant 0 : index
    %swap3A_13 = arith.constant 0 : index
    %swap3A_14 = vector.load %arg3[%swap3A, %swap3A_13] : memref<10000x128xf32, #tpu.memory_space<vmem>>, vector<10000x128xf32>
    tpu.vector_store %arg3[%swap3A, %swap3A_13], %mul3A_12 {strides = array<i32>} : memref<10000x128xf32, #tpu.memory_space<vmem>>, vector<10000x128xf32>,
    %swap3A_15 = arith.constant 0 : index
    %swap3A_16 = arith.constant 0 : index
    %swap3A_17 = vector.load %arg4[%swap3A_15, %swap3A_16] : memref<10000x1xf32, #tpu.memory_space<vmem>>, vector<10000x1xf32>
    tpu.vector_store %arg4[%swap3A_15, %swap3A_16], %rsqrt3A {strides = array<i32>} : memref<10000x1xf32, #tpu.memory_space<vmem>>, vector<10000x1xf32>,
    return
  }
}

module attributes {stable_mosaic.version = 14 : i64} {
  func.func @_mid_body(%arg0: memref<2x10240x128xf32, #tpu.memory_space<vmem>>, %arg1: memref<10000x128xf32, #tpu.memory_space<vmem>>, %arg2: memref<10000x1xf32, #tpu.memory_space<vmem>>, %arg3: memref<1x128xf32, #tpu.memory_space<vmem>>, %arg4: memref<1x128xf32, #tpu.memory_space<vmem>>, %arg5: memref<1x10000xf32, #tpu.memory_space<vmem>>) attributes {dimension_semantics = [], scalar_prefetch = 0 : i64, scratch_operands = 0 : i64, tpu.core_type = #tpu.core_type<tc>} {
    %get3A = arith.constant 0 : index
    %get3A_0 = arith.constant 0 : index
    %get3A_1 = vector.load %arg2[%get3A, %get3A_0] : memref<10000x1xf32, #tpu.memory_space<vmem>>, vector<10000x1xf32>
    %get3A_2 = arith.constant 0 : index
    %get3A_3 = arith.constant 0 : index
    %get3A_4 = arith.constant 0 : index
    %get3A_5 = vector.load %arg0[%get3A_2, %get3A_3, %get3A_4] : memref<2x10240x128xf32, #tpu.memory_space<vmem>>, vector<1x10000x128xf32>
    %get3A_6 = vector.shape_cast %get3A_5 : vector<1x10000x128xf32> to vector<10000x128xf32>
    %get3A_7 = arith.constant 1 : index
    %get3A_8 = arith.constant 0 : index
    %get3A_9 = arith.constant 0 : index
    %get3A_10 = vector.load %arg0[%get3A_7, %get3A_8, %get3A_9] : memref<2x10240x128xf32, #tpu.memory_space<vmem>>, vector<1x10000x128xf32>
    %get3A_11 = vector.shape_cast %get3A_10 : vector<1x10000x128xf32> to vector<10000x128xf32>
    %add3A = arith.addf %get3A_6, %get3A_11 : vector<10000x128xf32>
    %get3A_12 = arith.constant 0 : index
    %get3A_13 = arith.constant 0 : index
    %get3A_14 = vector.load %arg1[%get3A_12, %get3A_13] : memref<10000x128xf32, #tpu.memory_space<vmem>>, vector<10000x128xf32>
    %add3A_15 = arith.addf %add3A, %get3A_14 : vector<10000x128xf32>
    %mul3A = vector.broadcast %get3A_1 : vector<10000x1xf32> to vector<10000x128xf32>
    %mul3A_16 = arith.mulf %mul3A, %add3A_15 : vector<10000x128xf32>
    %get3A_17 = arith.constant 0 : index
    %get3A_18 = arith.constant 0 : index
    %get3A_19 = vector.load %arg3[%get3A_17, %get3A_18] : memref<1x128xf32, #tpu.memory_space<vmem>>, vector<1x128xf32>
    %add3A_20 = vector.broadcast %get3A_19 : vector<1x128xf32> to vector<10000x128xf32>
    %add3A_21 = arith.addf %mul3A_16, %add3A_20 : vector<10000x128xf32>
    %max3A = arith.constant 0.000000e+00 : f32
    %max3A_22 = vector.broadcast %max3A : f32 to vector<10000x128xf32>
    %max3A_23 = arith.maximumf %add3A_21, %max3A_22 : vector<10000x128xf32>
    %mul3A_24 = vector.broadcast %get3A_1 : vector<10000x1xf32> to vector<10000x128xf32>
    %mul3A_25 = arith.mulf %max3A_23, %mul3A_24 : vector<10000x128xf32>
    %get3A_26 = arith.constant 0 : index
    %get3A_27 = arith.constant 0 : index
    %get3A_28 = vector.load %arg4[%get3A_26, %get3A_27] : memref<1x128xf32, #tpu.memory_space<vmem>>, vector<1x128xf32>
    %dot_general3A = arith.constant dense<0.000000e+00> : vector<1x10000xf32>
    %dot_general3A_29 = tpu.matmul %get3A_28, %mul3A_25, %dot_general3A {dimension_numbers = #tpu.dot_dimension_numbers<[1], [1], [0], [0], [0, 0, 1, 0], [], []>, transpose_lhs_hint = false} : vector<1x128xf32>, vector<10000x128xf32>, vector<1x10000xf32> -> vector<1x10000xf32>
    %swap3A = arith.constant 0 : index
    %swap3A_30 = arith.constant 0 : index
    %swap3A_31 = vector.load %arg5[%swap3A, %swap3A_30] : memref<1x10000xf32, #tpu.memory_space<vmem>>, vector<1x10000xf32>
    tpu.vector_store %arg5[%swap3A, %swap3A_30], %dot_general3A_29 {strides = array<i32>} : memref<1x10000xf32, #tpu.memory_space<vmem>>, vector<1x10000xf32>,
    return
  }
}

module attributes {stable_mosaic.version = 14 : i64} {
  func.func @_fin_body(%arg0: memref<32x10000xf32, #tpu.memory_space<vmem>>, %arg1: memref<1x10000xf32, #tpu.memory_space<vmem>>, %arg2: memref<32x10000xf32, #tpu.memory_space<vmem>>, %arg3: memref<1x1xf32, #tpu.memory_space<vmem>>, %arg4: memref<1x10000xf32, #tpu.memory_space<vmem>>) attributes {dimension_semantics = [], scalar_prefetch = 0 : i64, scratch_operands = 0 : i64, tpu.core_type = #tpu.core_type<tc>} {
    %get3A = arith.constant 0 : index
    %get3A_0 = arith.constant 0 : index
    %get3A_1 = vector.load %arg0[%get3A, %get3A_0] : memref<32x10000xf32, #tpu.memory_space<vmem>>, vector<32x10000xf32>
    %reduce_sum3A = arith.constant dense<0.000000e+00> : vector<10000xf32>
    %reduce_sum3A_2 = vector.multi_reduction <add>, %get3A_1, %reduce_sum3A [0] : vector<32x10000xf32> to vector<10000xf32>
    %broadcast_in_dim3A = vector.shape_cast %reduce_sum3A_2 : vector<10000xf32> to vector<1x10000xf32>
    %get3A_3 = arith.constant 0 : index
    %get3A_4 = arith.constant 0 : index
    %get3A_5 = vector.load %arg2[%get3A_3, %get3A_4] : memref<32x10000xf32, #tpu.memory_space<vmem>>, vector<32x10000xf32>
    %reduce_sum3A_6 = arith.constant dense<0.000000e+00> : vector<10000xf32>
    %reduce_sum3A_7 = vector.multi_reduction <add>, %get3A_5, %reduce_sum3A_6 [0] : vector<32x10000xf32> to vector<10000xf32>
    %broadcast_in_dim3A_8 = vector.shape_cast %reduce_sum3A_7 : vector<10000xf32> to vector<1x10000xf32>
    %add3A = arith.constant 1.000000e+00 : f32
    %add3A_9 = vector.broadcast %add3A : f32 to vector<1x10000xf32>
    %add3A_10 = arith.addf %broadcast_in_dim3A_8, %add3A_9 : vector<1x10000xf32>
    %rsqrt3A = math.rsqrt %add3A_10 : vector<1x10000xf32>
    %get3A_11 = arith.constant 0 : index
    %get3A_12 = arith.constant 0 : index
    %get3A_13 = vector.load %arg1[%get3A_11, %get3A_12] : memref<1x10000xf32, #tpu.memory_space<vmem>>, vector<1x10000xf32>
    %add3A_14 = arith.addf %broadcast_in_dim3A, %get3A_13 : vector<1x10000xf32>
    %mul3A = arith.mulf %rsqrt3A, %add3A_14 : vector<1x10000xf32>
    %get3A_15 = arith.constant 0 : index
    %get3A_16 = arith.constant 0 : index
    %get3A_17 = vector.load %arg3[%get3A_15, %get3A_16] : memref<1x1xf32, #tpu.memory_space<vmem>>, vector<1x1xf32>
    %add3A_18 = vector.broadcast %get3A_17 : vector<1x1xf32> to vector<1x10000xf32>
    %add3A_19 = arith.addf %mul3A, %add3A_18 : vector<1x10000xf32>
    %swap3A = arith.constant 0 : index
    %swap3A_20 = arith.constant 0 : index
    %swap3A_21 = vector.load %arg4[%swap3A, %swap3A_20] : memref<1x10000xf32, #tpu.memory_space<vmem>>, vector<1x10000xf32>
    tpu.vector_store %arg4[%swap3A, %swap3A_20], %add3A_19 {strides = array<i32>} : memref<1x10000xf32, #tpu.memory_space<vmem>>, vector<1x10000xf32>,
    return
  }
}

</mosaic_0001>

<sc_bundles>
// kernel: kernel.11.cloned.1.call-start
scs
__scs_entry_jumppad:
0x0: {  	(pc) =	sbr.rel $0x88, $3  }
0x1: {  	(tag) =	ssettag $0x0;
	lr =	simm.s32 $0x1  }
0x2: {  	[smem:$0x3F9B] =	sst lr;
	_ =	strace $0xD0000000  }
0x3: {  	_ = 	snop  }
0x4: {  	_ = 	snop  }
0x5: {  	_ = 	snop  }
0x6: {  	_ = 	snop  }
0x7: {  	_ = 	snop  }
__scs_overlays_trampoline_lowered:
0x8: {  	[smem:$0x3FAA] =	sst s0  }
0x9: {  	[smem:$0x3FAB] =	sst s1  }
0xa: {  	[smem:$0x3FAC] =	sst s2  }
0xb: {  	[smem:$0x3FAD] =	sst s3  }
0xc: {  	[smem:$0x3FAE] =	sst s4  }
0xd: {  	[smem:$0x3FAF] =	sst s5  }
0xe: {  	[smem:$0x3FB0] =	sst s6  }
0xf: {  	[smem:$0x3FB1] =	sst s7  }
0x10: {  	[smem:$0x3FB2] =	sst s8  }
0x11: {  	[smem:$0x3FB3] =	sst s9;
	s0 =	simm.s32 @!p0 $0x0  }
0x12: {  	s1 =	sld [smem:$0x3F99];
	s0 =	simm.s32 @p0 $0x1  }
0x13: {  	[smem:$0x3FB4] =	sst s0;
	s0 =	simm.s32 @!p1 $0x0  }
0x14: {  	s2 =	sld [smem:$0x3F98];
	s0 =	simm.s32 @p1 $0x1  }
0x15: {  	[smem:$0x3FB5] =	sst s0;
	s0 =	simm.s32 @!p2 $0x0  }
0x16: {  	s3 =	sld [smem:$0x3FDB];
	s0 =	simm.s32 @p2 $0x1  }
0x17: {  	s4 =	simm.s32 $0x1BF5;
	[smem:$0x3FB7] =	sst s0  }
0x18: {  	s0 =	sld [smem:$0x3F9A];
	_ =	swait.ge [sflag:s4], $0x0  }
0x19: {  	s7 =	sld [smem:$0x3F9B]  }
0x1a: {  	s8 =	sadd.s32 $0xFFFFE003, lr  }
0x1b: {  	s9 =	sadd.s32 $0xFFFFFEF7, lr;
	s5 =	simm.s32 $0xFFFFFFFF;
	p2 =	slt.u32 s8, $0xFFFFF086  }
0x1c: {  	p1 =	slt.u32 s9, $0xF7A;
	s5 =	simm.s32 @!p2 $0x0  }
0x1d: {  	s5 =	simm.s32 @p1 $0x1;
	p0 =	seq.s32 s7, s2  }
0x1e: {  	s7 =	smul.u32 @!p0 $0xF7A, s2;
	p2 =	seq.s32 @!p0 s5, $0x0  }
0x1f: {  	s9 =	smul.u32 $0xF7A, s1;
	s8 =	simm.s32 @!p0 $0x1BF5;
	p2 =	por !p2, p0  }
0x20: {  	[sflag:s8] =	ssyncset.s32 @!p0 $0xFFFFF086;
	s6 =	sadd.s32 @!p0 s3, s7;
	s7 =	simm.s32 @!p0 $0x108  }
0x21: {  	s3 =	sadd.s32 s3, s9;
	s6 =	sadd.s32 @!p0 $0x88, s6;
	s7 =	simm.s32 @p2 $0x1082  }
0x22: {  	[simem:s7], [sflag:s8] =	dma.local @!p0 [hbm:s6], $0xF7A  }
0x23: {  	s9 =	sor.u32 $0xD0000000, s2;
	s6 =	simm.s32 $0x108;
	_ =	swait.ge @!p0 [sflag:s8], $0x0  }
0x24: {  	s3 =	sadd.s32 $0x88, s3;
	s6 =	simm.s32 @!p1 $0x1082;
	[sflag:s4] =	ssyncset.s32 $0xFFFFF086  }
0x25: {  	[simem:s6], [sflag:s4] =	dma.local [hbm:s3], $0xF7A  }
0x26: {  	[smem:$0x3F9B] =	sst s1;
	(tag) =	ssettag s2;
	_ =	strace s9  }
0x27: {  	s1 =	sld [smem:$0x3FAB]  }
0x28: {  	s2 =	sld [smem:$0x3FAC]  }
0x29: {  	s4 =	sld [smem:$0x3FAE]  }
0x2a: {  	p0 =	seq.s32 s5, $0x0;
	s5 =	sld [smem:$0x3FAF]  }
0x2b: {  	s6 =	sld [smem:$0x3FB0]  }
0x2c: {  	s7 =	sld [smem:$0x3FB1]  }
0x2d: {  	s3 =	simm.s32 $0x108;
	s8 =	sld [smem:$0x3FB2]  }
0x2e: {  	s3 =	simm.s32 @!p0 $0x1082;
	s9 =	sld [smem:$0x3FB3]  }
0x2f: {  	lr =	sadd.s32 s0, s3;
	s0 =	sld [smem:$0x3FAA]  }
0x30: {  	s3 =	sld [smem:$0x3FAD]  }
0x31: {  	[smem:$0x3FB6] =	sst s10  }
0x32: {  	s10 =	sld [smem:$0x3FB4];
	_ =	sdelay $0x3  }
0x33: {  	p0 =	seq.s32 s10, $0x1;
	s10 =	sld [smem:$0x3FB6];
	_ =	sdelay $0x3  }
0x34: {  	[smem:$0x3FB6] =	sst s10  }
0x35: {  	s10 =	sld [smem:$0x3FB5];
	_ =	sdelay $0x3  }
0x36: {  	p1 =	seq.s32 s10, $0x1;
	s10 =	sld [smem:$0x3FB6];
	_ =	sdelay $0x3  }
0x37: {  	[smem:$0x3FB6] =	sst s10  }
0x38: {  	s10 =	sld [smem:$0x3FB7]  }
0x39: {  	_ = 	snop;
	(pc) =	sbr.ind lr, $3  }
0x3a: {  	_ = 	snop  }
0x3b: {  	_ = 	snop  }
0x3c: {  	p2 =	seq.s32 s10, $0x1;
	s10 =	sld [smem:$0x3FB6]  }
0x3d: {  	_ =	shalt  }
0x3e: {  	_ =	shalt  }
0x3f: {  	_ =	shalt  }
0x40: {  	_ =	shalt  }
0x41: {  	_ =	shalt  }
0x42: {  	_ =	shalt  }
0x43: {  	_ =	shalt  }
0x44: {  	_ =	shalt  }
0x45: {  	_ =	shalt  }
0x46: {  	_ =	shalt  }
0x47: {  	_ =	shalt  }
0x48: {  	_ =	shalt  }
0x49: {  	_ =	shalt  }
0x4a: {  	_ =	shalt  }
0x4b: {  	_ =	shalt  }
0x4c: {  	_ =	shalt  }
0x4d: {  	_ =	shalt  }
0x4e: {  	_ =	shalt  }
0x4f: {  	_ =	shalt  }
0x50: {  	_ =	shalt  }
0x51: {  	_ =	shalt  }
0x52: {  	_ =	shalt  }
0x53: {  	_ =	shalt  }
0x54: {  	_ =	shalt  }
0x55: {  	_ =	shalt  }
0x56: {  	_ =	shalt  }
0x57: {  	_ =	shalt  }
0x58: {  	_ =	shalt  }
0x59: {  	_ =	shalt  }
0x5a: {  	_ =	shalt  }
0x5b: {  	_ =	shalt  }
0x5c: {  	_ =	shalt  }
0x5d: {  	_ =	shalt  }
0x5e: {  	_ =	shalt  }
0x5f: {  	_ =	shalt  }
0x60: {  	_ =	shalt  }
0x61: {  	_ =	shalt  }
0x62: {  	_ =	shalt  }
0x63: {  	_ =	shalt  }
0x64: {  	_ =	shalt  }
0x65: {  	_ =	shalt  }
0x66: {  	_ =	shalt  }
0x67: {  	_ =	shalt  }
0x68: {  	_ =	shalt  }
0x69: {  	_ =	shalt  }
0x6a: {  	_ =	shalt  }
0x6b: {  	_ =	shalt  }
0x6c: {  	_ =	shalt  }
0x6d: {  	_ =	shalt  }
0x6e: {  	_ =	shalt  }
0x6f: {  	_ =	shalt  }
0x70: {  	_ =	shalt  }
0x71: {  	_ =	shalt  }
0x72: {  	_ =	shalt  }
0x73: {  	_ =	shalt  }
0x74: {  	_ =	shalt  }
0x75: {  	_ =	shalt  }
0x76: {  	_ =	shalt  }
0x77: {  	_ =	shalt  }
0x78: {  	_ =	shalt  }
0x79: {  	_ =	shalt  }
0x7a: {  	_ =	shalt  }
0x7b: {  	_ =	shalt  }
0x7c: {  	_ =	shalt  }
0x7d: {  	_ =	shalt  }
0x7e: {  	_ =	shalt  }
0x7f: {  	_ =	shalt  }
0x80: {  	_ =	shalt  }
0x81: {  	_ =	shalt  }
0x82: {  	_ =	shalt  }
0x83: {  	_ =	shalt  }
0x84: {  	_ =	shalt  }
0x85: {  	_ =	shalt  }
0x86: {  	_ =	shalt  }
0x87: {  	_ =	shalt  }
.Lfunc_end0:
.L_simem_size_0:
called_computation.1_lowered:
.L_overlay_start_0:
0x88: {  	s2 =	sld [smem:$0x3FD9]  }
0x89: {  	s3 =	sld [smem:$0x3FFE];
	_ =	sdelay $0x1  }
0x8a: {  	s1 =	srdreg.scid  }
0x8b: {  	s0 =	sand.u32 $0x1, s1  }
0x8c: {  	s16 =	sshll.u32 s0, $0xA;
	s2 =	sadd.s32 s3, s2  }
0x8d: {  	s2 =	sadd.s32 s2, s16  }
0x8e: {  	[smem:$0x3FC2] =	sst s2  }
0x8f: {  	_ = 	snop  }
0x90: {  	(tm) =	ssettm $0x1  }
0x91: {  	s17 =	sld [smem:$0x3FFB];
	_ =	sdelay $0x3  }
0x92: {  	_ =	strace s17  }
0x93: {  	s2 =	sld [smem:$0x3FFC];
	_ =	sdelay $0x3  }
0x94: {  	_ =	strace s2  }
0x95: {  	s2 =	sld [smem:$0x3FFD];
	_ =	sdelay $0x3  }
0x96: {  	_ =	strace s2  }
0x97: {  	_ =	strace $0x8FFFFFFF  }
0x98: {  	s18 =	sld [smem:$0x3FDB];
	_ =	sdelay $0x1  }
0x99: {  	s19 =	simm.s32 $_scs_section_size  }
0x9a: {  	s4 =	simm.s32 $_size__tile_overlayer_lowered;
	s5 =	simm.s32 $_tile_overlayer_lowered  }
0x9b: {  	s22 =	simm.s32 $0x1BFF;
	s21 =	sshll.u32 s5, $0x1;
	s2 =	sadd.s32 s19, s18  }
0x9c: {  	s6 =	simm.s32 $0x0;
	s20 =	sshll.u32 s4, $0x1;
	s4 =	sadd.s32 s21, s2  }
0x9d: {  	[timem:s6], [sflag:s22] =	dma.local [hbm:s4], s20  }
0x9e: {  	_ =	swait.ge [sflag:s22], s20  }
0x9f: {  	s3 =	ssub.s32 $0x0, s20;
	[sflag:s22] =	ssyncset.done $0x0  }
0xa0: {  	[sflag:s22] =	ssyncadd.s32 s3;
	_ =	sdelay $0x1  }
0xa1: {  	s23 =	simm.s32 $0x1B8B  }
0xa2: {  	_ =	swait.ge [sflag:s23], $0x1  }
0xa3: {  	[sflag:s23] =	ssyncset.done $0x0  }
0xa4: {  	s25 =	simm.s32 $0x1B8E;
	s24 =	sld [smem:$0x3FFE];
	[sflag:s23] =	ssyncadd.s32 $0xFFFFFFFF  }
0xa5: {  	s26 =	simm.s32 $execute0_lowered;
	[smem:$0x3FD2] =	sst s25  }
0xa6: {  	s4 =	sshll.u32 s26, $0x1;
	_ =	strace $0x80000049;
	[dreg:$0x1] =	wrdreg $0xFFFFFFFF  }
0xa7: {  	s28 =	simm.s32 $_size_execute0_lowered;
	s2 =	sadd.s32 s2, s4;
	[dreg:$0x0] =	wrdreg $0x0  }
0xa8: {  	s4 =	sshll.u32 s28, $0x1;
	[dreg:$0x2] =	wrdreg s2  }
0xa9: {  	[dreg:$0x3] =	wrdreg s4  }
0xaa: {  	[dreg:$0x4] =	wrdreg $0xC0  }
0xab: {  	_ =	task [dreg:s6], $0x5FFFF  }
0xac: {  	[dreg:$0x1] =	wrdreg $0xFFFFFFFF  }
0xad: {  	[dreg:$0x0] =	wrdreg $0x60  }
0xae: {  	[dreg:$0x2] =	wrdreg s24  }
0xaf: {  	[dreg:$0x3] =	wrdreg $0xA0000  }
0xb0: {  	[dreg:$0x4] =	wrdreg $0x9  }
0xb1: {  	_ =	task.clear_ibuf [dreg:s6], $0x5FFFF;
	_ =	strace $0x90000049  }
0xb2: {  	s29 =	simm.s32 $0x9;
	_ =	strace $0x8000004B  }
0xb3: {  	_ =	swait.ge [sflag:s29], $0x1  }
0xb4: {  	[sflag:s29] =	ssyncadd.s32 $0xFFFFFFFF  }
0xb5: {  	_ =	strace $0x9000004B  }
0xb6: {  	_ =	sfence  }
0xb7: {  	s30 =	sld [smem:$0x0];
	_ =	sdelay $0x2  }
0xb8: {  	s31 =	sshll.u32 s1, $0xD;
	s1 =	sshrl.u32 s1, $0x2  }
0xb9: {  	s3 =	sand.u32 $0x4000, s31;
	s1 =	sadd.s32 s1, s30  }
0xba: {  	s0 =	sor.u32 s3, s0;
	s1 =	sshll.u32 s1, $0x11  }
0xbb: {  	s0 =	sor.u32 s1, s0  }
0xbc: {  	s0 =	sadd.s32 $0x8F2B, s0  }
0xbd: {  	[sflag:s0] =	ssyncadd.remote.s32 $0x1  }
0xbe: {  	_ =	sfence.sel $0xFFFF  }
0xbf: {  	[dreg:$0x0] =	wrdreg $0xFFFFFFFF;
	(pc) =	sbr.abs _section_cstart, $3  }
0xc0: {  	[dreg:$0x1] =	wrdreg $0xFFFFFFFF  }
0xc1: {  	_ =	task.clear_ibuf [dreg:s6], $0x2FFFF;
	_ =	strace $0x9FFFFFFF  }
0xc2: {  	(tm) =	ssettm $0x7FFFFFFF  }
0xc3: {  	_ =	shalt  }
tec
execute0_lowered:
.L_overlay_start_1:
0x0: {  	(tag) =	ssettag $0x1  }
0x1: {  	s0 =	srdreg.scid  }
0x2: {  	s4 =	stileid.u32;
	s6 =	rddreg [dreg:$0x0]  }
0x3: {  	s2 =	rddreg [dreg:$0x1];
	s3 =	simm.s32 $0x0;
	s18 =	simm.s32 $0x3800  }
0x4: {  	s19 =	simm.s32 $0x5;
	s20 =	simm.s32 $0x1C00;
	s21 =	simm.s32 $0x64  }
0x5: {  	s28 =	simm.s32 $0x2;
	s29 =	simm.s32 $0x1C80;
	s30 =	simm.s32 $0x4  }
0x6: {  	s31 =	simm.s32 $0x1880;
	s0 =	sand.u32 $0x1, s0;
	s7 =	smul.u32 $0x14000, s4  }
0x7: {  	[smem:$0x7FF] =	sst s3;
	s8 =	smul.u32 $0x50000, s4;
	s1 =	sshll.u32 s0, $0x4  }
0x8: {  	s5 =	smul.u32 $0x140000, s0;
	_ =	strace $0x8000004A;
	s0 =	ssub.s32 $0x2, s0  }
0x9: {  	s1 =	sor.u32 s4, s1;
	s4 =	sadd.s32 $0x3C800, s6;
	s22 =	sshrl.u32 s8, $0x2  }
0xa: {  	s9 =	sshrl.u32 s0, $0x1;
	s1 =	smul.u32 $0x3800, s1;
	s5 =	sadd.s32 s7, s5  }
0xb: {  	s0 =	ssub.s32 s0, s9;
	s23 =	sshrl.u32 s5, $0x3;
	s5 =	sadd.s32 s22, s2  }
0xc: {  	s17 =	smax.u32 s0, $0x1;
	s22 =	simm.s32 $0x80;
	s0 =	simm.s32 $0x3480  }
0xd: {  	s1 =	sshrl.u32 s1, $0x3;
	s7 =	sadd.s32 $0x3000, s5;
	s24 =	sadd.s32 $0x6000, s5  }
0xe: {  	s25 =	sadd.s32 $0x9000, s5;
	s26 =	sadd.s32 $0xC000, s5;
	[dreg:$0x3] =	wrdreg s7  }
0xf: {  	s10 =	sadd.s32 $0xF000, s5;
	s11 =	sadd.s32 $0x12000, s5;
	[dreg:$0x4] =	wrdreg s24  }
0x10: {  	s1 =	sadd.s32 s1, s6;
	s6 =	sadd.s32 s23, s6;
	[dreg:$0x5] =	wrdreg s25  }
0x11: {  	[dreg:$0x6] =	wrdreg s26;
	s23 =	simm.s32 $0x6C00;
	s24 =	simm.s32 $0x1  }
0x12: {  	s25 =	simm.s32 $0x3;
	s26 =	simm.s32 $0x100;
	s12 =	sadd.s32 $0x20800, s1  }
0x13: {  	s13 =	sadd.s32 $0x2E800, s1;
	s14 =	sadd.s32 $0x20B80, s1;
	s15 =	sadd.s32 $0x2EB80, s1  }
0x14: {  	v0 =	vimm.f32 $0.0e+00;
	s16 =	sadd.s32 $0x63A00, s6;
	s1 =	simm.s32 $0x3400;
	s6 =	simm.s32 $0x0  }
.LBB2_1:
0x15: {  	s7 =	simm.s32 $0x0;
	s8 =	simm.s32 $0x200  }
.LBB2_2:
0x16: {  	p0 =	sne.s32 s8, $0xC600;
	[tilespmem:s7+$0x3870] =	vst v0  }
0x17: {  	[tilespmem:s7+$0x3800] =	vst v0  }
0x18: {  	[tilespmem:s7+$0x3810] =	vst v0  }
.Ltmp0:
0x19: {  	[tilespmem:s7+$0x3820] =	vst v0;
	(pc) =	sbr.rel @p0 .LBB2_2-.Ltmp0, $4  }
0x1a: {  	[tilespmem:s7+$0x3830] =	vst v0  }
0x1b: {  	[tilespmem:s7+$0x3840] =	vst v0  }
0x1c: {  	[tilespmem:s7+$0x3850] =	vst v0  }
0x1d: {  	[tilespmem:s7+$0x3860] =	vst v0;
	s7 =	sshra.s32 s8, $0x2;
	s8 =	sadd.s32 $0x200, s8  }
0x1e: {  	[tilespmem:s7+$0x3870] =	vst v0  }
0x1f: {  	[tilespmem:s7+$0x3800] =	vst v0  }
0x20: {  	[tilespmem:s7+$0x3810] =	vst v0  }
0x21: {  	[tilespmem:s7+$0x3820] =	vst v0  }
0x22: {  	[tilespmem:s7+$0x3830] =	vst v0  }
0x23: {  	[tilespmem:s7+$0x3840] =	vst v0  }
0x24: {  	[tilespmem:s7+$0x3850] =	vst v0  }
0x25: {  	[tilespmem:s7+$0x3860] =	vst v0  }
0x26: {  	[spmem:s5] =	stream.linear.scatter [tilespmem:s18], [sflag:$0x5], $0x3000, $0x38;
	[tilespmem:$0x1E000] =	vst v63  }
0x27: {  	_ =	swait.ge [sflag:s19], $0x3000  }
0x28: {  	[sflag:s19] =	ssyncset.done $0x0  }
0x29: {  	s9 =	rddreg [dreg:$0x3];
	[sflag:s19] =	ssyncadd.s32 $0xFFFFD000  }
0x2a: {  	[spmem:s9] =	stream.linear.scatter [tilespmem:s18], [sflag:$0x5], $0x3000, $0x38;
	[tilespmem:$0x1E000] =	vst v63  }
0x2b: {  	_ =	swait.ge [sflag:s19], $0x3000  }
0x2c: {  	[sflag:s19] =	ssyncset.done $0x0  }
0x2d: {  	s8 =	rddreg [dreg:$0x4];
	[sflag:s19] =	ssyncadd.s32 $0xFFFFD000  }
0x2e: {  	[spmem:s8] =	stream.linear.scatter [tilespmem:s18], [sflag:$0x5], $0x3000, $0x38;
	[tilespmem:$0x1E000] =	vst v63  }
0x2f: {  	_ =	swait.ge [sflag:s19], $0x3000  }
0x30: {  	[sflag:s19] =	ssyncset.done $0x0  }
0x31: {  	s9 =	rddreg [dreg:$0x5];
	[sflag:s19] =	ssyncadd.s32 $0xFFFFD000  }
0x32: {  	[spmem:s9] =	stream.linear.scatter [tilespmem:s18], [sflag:$0x5], $0x3000, $0x38;
	[tilespmem:$0x1E000] =	vst v63  }
0x33: {  	_ =	swait.ge [sflag:s19], $0x3000  }
0x34: {  	[sflag:s19] =	ssyncset.done $0x0  }
0x35: {  	s8 =	rddreg [dreg:$0x6];
	[sflag:s19] =	ssyncadd.s32 $0xFFFFD000  }
0x36: {  	[spmem:s8] =	stream.linear.scatter [tilespmem:s18], [sflag:$0x5], $0x3000, $0x38;
	[tilespmem:$0x1E000] =	vst v63  }
0x37: {  	_ =	swait.ge [sflag:s19], $0x3000  }
0x38: {  	[sflag:s19] =	ssyncset.done $0x0  }
0x39: {  	[sflag:s19] =	ssyncadd.s32 $0xFFFFD000  }
0x3a: {  	[spmem:s10] =	stream.linear.scatter [tilespmem:s18], [sflag:$0x5], $0x3000, $0x38;
	[tilespmem:$0x1E000] =	vst v63  }
0x3b: {  	_ =	swait.ge [sflag:s19], $0x3000  }
0x3c: {  	[sflag:s19] =	ssyncset.done $0x0  }
0x3d: {  	[sflag:s19] =	ssyncadd.s32 $0xFFFFD000  }
0x3e: {  	[spmem:s11] =	stream.linear.scatter [tilespmem:s18], [sflag:$0x5], $0x2000, $0x38;
	[tilespmem:$0x1E000] =	vst v63  }
0x3f: {  	_ =	swait.ge [sflag:s19], $0x2000  }
0x40: {  	[sflag:s19] =	ssyncset.done $0x0  }
0x41: {  	[sflag:s19] =	ssyncadd.s32 $0xFFFFE000  }
0x42: {  	[bflag:$0x0] =	sbarrier.arrive $0xFFFF  }
0x43: {  	[tilespmem:s3], [sflag:$0x5] =	stream.linear.gather [hbm4b:s12+s3], $0x1900, $0x38;
	[tilespmem:$0x1E000] =	vst v63  }
0x44: {  	_ =	swait.ge [sflag:s19], $0x1900  }
0x45: {  	[sflag:s19] =	ssyncset.done $0x0  }
0x46: {  	[sflag:s19] =	ssyncadd.s32 $0xFFFFE700  }
0x47: {  	[tilespmem:s20], [sflag:$0x5] =	stream.linear.gather [hbm4b:s13+s3], $0x1900, $0x38;
	[tilespmem:$0x1E000] =	vst v63  }
0x48: {  	_ =	swait.ge [sflag:s19], $0x1900  }
0x49: {  	[sflag:s19] =	ssyncset.done $0x0  }
0x4a: {  	[sflag:s19] =	ssyncadd.s32 $0xFFFFE700  }
0x4b: {  	[tilespmem:s18], [sflag:$0x1] =	stream.indirect.gather [hbm4b:s4+s21], $0x80, s3, s21, $0xb8;
	[tilespmem:$0x1E000] =	vst v63  }
0x4c: {  	_ = 	snop  }
0x4d: {  	[tilespmem:s23], [sflag:$0x2] =	stream.indirect.gather [hbm4b:s4+s21], $0x80, s22, s21, $0xb8;
	[tilespmem:$0x1E000] =	vst v63  }
0x4e: {  	_ =	swait.ge [sflag:s24], $0x3200  }
0x4f: {  	[sflag:s24] =	ssyncset.done $0x0  }
0x50: {  	[sflag:s24] =	ssyncadd.s32 $0xFFFFCE00  }
0x51: {  	[spmem:s2] =	stream.indirect.scatter.add.f32 [tilespmem:s18], [sflag:$0x3], $0x80, s20, s21, $0xb8;
	[tilespmem:$0x1E000] =	vst v63  }
0x52: {  	_ =	swait.ge [sflag:s25], $0x3200  }
0x53: {  	[sflag:s25] =	ssyncset.done $0x0  }
0x54: {  	[sflag:s25] =	ssyncadd.s32 $0xFFFFCE00  }
0x55: {  	[tilespmem:s18], [sflag:$0x1] =	stream.indirect.gather [hbm4b:s4+s21], $0x80, s26, s21, $0xb8;
	[tilespmem:$0x1E000] =	vst v63  }
0x56: {  	_ =	swait.ge [sflag:s28], $0x3200  }
0x57: {  	[sflag:s28] =	ssyncset.done $0x0  }
0x58: {  	[sflag:s28] =	ssyncadd.s32 $0xFFFFCE00  }
0x59: {  	[spmem:s2] =	stream.indirect.scatter.add.f32 [tilespmem:s23], [sflag:$0x4], $0x80, s29, s21, $0xb8;
	[tilespmem:$0x1E000] =	vst v63  }
0x5a: {  	_ =	swait.ge [sflag:s30], $0x3200  }
0x5b: {  	[sflag:s30] =	ssyncset.done $0x0  }
0x5c: {  	s9 =	simm.s32 $0x180;
	[sflag:s30] =	ssyncadd.s32 $0xFFFFCE00  }
0x5d: {  	[tilespmem:s23], [sflag:$0x2] =	stream.indirect.gather [hbm4b:s4+s21], $0x80, s9, s21, $0xb8;
	[tilespmem:$0x1E000] =	vst v63  }
0x5e: {  	_ =	swait.ge [sflag:s24], $0x3200  }
0x5f: {  	[sflag:s24] =	ssyncset.done $0x0  }
0x60: {  	s8 =	simm.s32 $0x1D00;
	[sflag:s24] =	ssyncadd.s32 $0xFFFFCE00  }
0x61: {  	[spmem:s2] =	stream.indirect.scatter.add.f32 [tilespmem:s18], [sflag:$0x3], $0x80, s8, s21, $0xb8;
	[tilespmem:$0x1E000] =	vst v63  }
0x62: {  	_ =	swait.ge [sflag:s25], $0x3200  }
0x63: {  	[sflag:s25] =	ssyncset.done $0x0  }
0x64: {  	s9 =	simm.s32 $0x200;
	[sflag:s25] =	ssyncadd.s32 $0xFFFFCE00  }
0x65: {  	[tilespmem:s18], [sflag:$0x1] =	stream.indirect.gather [hbm4b:s4+s21], $0x80, s9, s21, $0xb8;
	[tilespmem:$0x1E000] =	vst v63  }
0x66: {  	_ =	swait.ge [sflag:s28], $0x3200  }
0x67: {  	[sflag:s28] =	ssyncset.done $0x0  }
0x68: {  	s7 =	simm.s32 $0xFFFFA800;
	s8 =	simm.s32 $0x1D80;
	[sflag:s28] =	ssyncadd.s32 $0xFFFFCE00  }
.LBB2_4:
0x69: {  	[spmem:s2] =	stream.indirect.scatter.add.f32 [tilespmem:s23], [sflag:$0x4], $0x80, s8, s21, $0xb8;
	[tilespmem:$0x1E000] =	vst v63  }
0x6a: {  	s8 =	smov.u32 s7  }
0x6b: {  	p0 =	sne.s32 s7, $0xFFFFFC00;
	s7 =	sadd.s32 $0x400, s7;
	_ =	swait.ge [sflag:s30], $0x3200  }
0x6c: {  	s8 =	sshra.s32 s8, $0x2;
	[sflag:s30] =	ssyncset.done $0x0  }
0x6d: {  	s9 =	sadd.s32 $0x1880, s8;
	[sflag:s30] =	ssyncadd.s32 $0xFFFFCE00  }
0x6e: {  	[tilespmem:s23], [sflag:$0x2] =	stream.indirect.gather [hbm4b:s4+s21], $0x80, s9, s21, $0xb8;
	[tilespmem:$0x1E000] =	vst v63  }
0x6f: {  	_ =	swait.ge [sflag:s24], $0x3200  }
0x70: {  	[sflag:s24] =	ssyncset.done $0x0  }
0x71: {  	s9 =	sadd.s32 $0x3400, s8;
	[sflag:s24] =	ssyncadd.s32 $0xFFFFCE00  }
0x72: {  	[spmem:s2] =	stream.indirect.scatter.add.f32 [tilespmem:s18], [sflag:$0x3], $0x80, s9, s21, $0xb8;
	[tilespmem:$0x1E000] =	vst v63  }
0x73: {  	_ =	swait.ge [sflag:s25], $0x3200  }
0x74: {  	[sflag:s25] =	ssyncset.done $0x0  }
.Ltmp1:
0x75: {  	s9 =	sadd.s32 $0x1900, s8;
	[sflag:s25] =	ssyncadd.s32 $0xFFFFCE00;
	(pc) =	sbr.rel @p0 .LBB2_4-.Ltmp1, $4  }
0x76: {  	[tilespmem:s18], [sflag:$0x1] =	stream.indirect.gather [hbm4b:s4+s21], $0x80, s9, s21, $0xb8;
	[tilespmem:$0x1E000] =	vst v63  }
0x77: {  	_ =	swait.ge [sflag:s28], $0x3200  }
0x78: {  	[sflag:s28] =	ssyncset.done $0x0  }
0x79: {  	s8 =	sadd.s32 $0x3480, s8;
	[sflag:s28] =	ssyncadd.s32 $0xFFFFCE00  }
0x7a: {  	[spmem:s2] =	stream.indirect.scatter.add.f32 [tilespmem:s23], [sflag:$0x4], $0x80, s8, s21, $0xb8;
	[tilespmem:$0x1E000] =	vst v63  }
0x7b: {  	_ =	swait.ge [sflag:s30], $0x3200  }
0x7c: {  	[sflag:s30] =	ssyncset.done $0x0  }
0x7d: {  	[sflag:s30] =	ssyncadd.s32 $0xFFFFCE00  }
0x7e: {  	[tilespmem:s23], [sflag:$0x2] =	stream.indirect.gather [hbm4b:s4+s21], $0x80, s31, s21, $0xb8;
	[tilespmem:$0x1E000] =	vst v63  }
0x7f: {  	_ =	swait.ge [sflag:s24], $0x3200  }
0x80: {  	[sflag:s24] =	ssyncset.done $0x0  }
0x81: {  	[sflag:s24] =	ssyncadd.s32 $0xFFFFCE00  }
0x82: {  	[spmem:s2] =	stream.indirect.scatter.add.f32 [tilespmem:s18], [sflag:$0x3], $0x80, s1, s21, $0xb8;
	[tilespmem:$0x1E000] =	vst v63  }
0x83: {  	_ =	swait.ge [sflag:s28], $0x3200  }
0x84: {  	[sflag:s28] =	ssyncset.done $0x0  }
0x85: {  	[sflag:s28] =	ssyncadd.s32 $0xFFFFCE00  }
0x86: {  	[spmem:s2] =	stream.indirect.scatter.add.f32 [tilespmem:s23], [sflag:$0x4], $0x80, s0, s21, $0xb8;
	[tilespmem:$0x1E000] =	vst v63  }
0x87: {  	_ =	swait.ge [sflag:s25], $0x3200  }
0x88: {  	[sflag:s25] =	ssyncset.done $0x0  }
0x89: {  	[sflag:s25] =	ssyncadd.s32 $0xFFFFCE00  }
0x8a: {  	_ =	swait.ge [sflag:s30], $0x3200  }
0x8b: {  	[sflag:s30] =	ssyncset.done $0x0  }
0x8c: {  	[sflag:s30] =	ssyncadd.s32 $0xFFFFCE00  }
0x8d: {  	[tilespmem:s3], [sflag:$0x5] =	stream.linear.gather [hbm4b:s14+s3], $0x1900, $0x38;
	[tilespmem:$0x1E000] =	vst v63  }
0x8e: {  	_ =	swait.ge [sflag:s19], $0x1900  }
0x8f: {  	[sflag:s19] =	ssyncset.done $0x0  }
0x90: {  	[sflag:s19] =	ssyncadd.s32 $0xFFFFE700  }
0x91: {  	[tilespmem:s20], [sflag:$0x5] =	stream.linear.gather [hbm4b:s15+s3], $0x1900, $0x38;
	[tilespmem:$0x1E000] =	vst v63  }
0x92: {  	_ =	swait.ge [sflag:s19], $0x1900  }
0x93: {  	[sflag:s19] =	ssyncset.done $0x0  }
0x94: {  	[sflag:s19] =	ssyncadd.s32 $0xFFFFE700  }
0x95: {  	[tilespmem:s18], [sflag:$0x1] =	stream.indirect.gather [hbm4b:s4+s21], $0x80, s3, s21, $0xb8;
	[tilespmem:$0x1E000] =	vst v63  }
0x96: {  	_ = 	snop  }
0x97: {  	[tilespmem:s23], [sflag:$0x2] =	stream.indirect.gather [hbm4b:s4+s21], $0x80, s22, s21, $0xb8;
	[tilespmem:$0x1E000] =	vst v63  }
0x98: {  	_ =	swait.ge [sflag:s24], $0x3200  }
0x99: {  	[sflag:s24] =	ssyncset.done $0x0  }
0x9a: {  	[sflag:s24] =	ssyncadd.s32 $0xFFFFCE00  }
0x9b: {  	[spmem:s2] =	stream.indirect.scatter.add.f32 [tilespmem:s18], [sflag:$0x3], $0x80, s20, s21, $0xb8;
	[tilespmem:$0x1E000] =	vst v63  }
0x9c: {  	_ =	swait.ge [sflag:s25], $0x3200  }
0x9d: {  	[sflag:s25] =	ssyncset.done $0x0  }
0x9e: {  	[sflag:s25] =	ssyncadd.s32 $0xFFFFCE00  }
0x9f: {  	[tilespmem:s18], [sflag:$0x1] =	stream.indirect.gather [hbm4b:s4+s21], $0x80, s26, s21, $0xb8;
	[tilespmem:$0x1E000] =	vst v63  }
0xa0: {  	_ =	swait.ge [sflag:s28], $0x3200  }
0xa1: {  	[sflag:s28] =	ssyncset.done $0x0  }
0xa2: {  	[sflag:s28] =	ssyncadd.s32 $0xFFFFCE00  }
0xa3: {  	[spmem:s2] =	stream.indirect.scatter.add.f32 [tilespmem:s23], [sflag:$0x4], $0x80, s29, s21, $0xb8;
	[tilespmem:$0x1E000] =	vst v63  }
0xa4: {  	_ =	swait.ge [sflag:s30], $0x3200  }
0xa5: {  	[sflag:s30] =	ssyncset.done $0x0  }
0xa6: {  	s7 =	simm.s32 $0x180;
	[sflag:s30] =	ssyncadd.s32 $0xFFFFCE00  }
0xa7: {  	[tilespmem:s23], [sflag:$0x2] =	stream.indirect.gather [hbm4b:s4+s21], $0x80, s7, s21, $0xb8;
	[tilespmem:$0x1E000] =	vst v63  }
0xa8: {  	_ =	swait.ge [sflag:s24], $0x3200  }
0xa9: {  	[sflag:s24] =	ssyncset.done $0x0  }
0xaa: {  	s8 =	simm.s32 $0x1D00;
	[sflag:s24] =	ssyncadd.s32 $0xFFFFCE00  }
0xab: {  	[spmem:s2] =	stream.indirect.scatter.add.f32 [tilespmem:s18], [sflag:$0x3], $0x80, s8, s21, $0xb8;
	[tilespmem:$0x1E000] =	vst v63  }
0xac: {  	_ =	swait.ge [sflag:s25], $0x3200  }
0xad: {  	[sflag:s25] =	ssyncset.done $0x0  }
0xae: {  	s9 =	simm.s32 $0x200;
	[sflag:s25] =	ssyncadd.s32 $0xFFFFCE00  }
0xaf: {  	[tilespmem:s18], [sflag:$0x1] =	stream.indirect.gather [hbm4b:s4+s21], $0x80, s9, s21, $0xb8;
	[tilespmem:$0x1E000] =	vst v63  }
0xb0: {  	_ =	swait.ge [sflag:s28], $0x3200  }
0xb1: {  	[sflag:s28] =	ssyncset.done $0x0  }
0xb2: {  	s7 =	simm.s32 $0xFFFFA800;
	s8 =	simm.s32 $0x1D80;
	[sflag:s28] =	ssyncadd.s32 $0xFFFFCE00  }
.LBB2_6:
0xb3: {  	[spmem:s2] =	stream.indirect.scatter.add.f32 [tilespmem:s23], [sflag:$0x4], $0x80, s8, s21, $0xb8;
	[tilespmem:$0x1E000] =	vst v63  }
0xb4: {  	s8 =	smov.u32 s7  }
0xb5: {  	p0 =	sne.s32 s7, $0xFFFFFC00;
	s7 =	sadd.s32 $0x400, s7;
	_ =	swait.ge [sflag:s30], $0x3200  }
0xb6: {  	s8 =	sshra.s32 s8, $0x2;
	[sflag:s30] =	ssyncset.done $0x0  }
0xb7: {  	s9 =	sadd.s32 $0x1880, s8;
	[sflag:s30] =	ssyncadd.s32 $0xFFFFCE00  }
0xb8: {  	[tilespmem:s23], [sflag:$0x2] =	stream.indirect.gather [hbm4b:s4+s21], $0x80, s9, s21, $0xb8;
	[tilespmem:$0x1E000] =	vst v63  }
0xb9: {  	_ =	swait.ge [sflag:s24], $0x3200  }
0xba: {  	[sflag:s24] =	ssyncset.done $0x0  }
0xbb: {  	s9 =	sadd.s32 $0x3400, s8;
	[sflag:s24] =	ssyncadd.s32 $0xFFFFCE00  }
0xbc: {  	[spmem:s2] =	stream.indirect.scatter.add.f32 [tilespmem:s18], [sflag:$0x3], $0x80, s9, s21, $0xb8;
	[tilespmem:$0x1E000] =	vst v63  }
0xbd: {  	_ =	swait.ge [sflag:s25], $0x3200  }
0xbe: {  	[sflag:s25] =	ssyncset.done $0x0  }
.Ltmp2:
0xbf: {  	s9 =	sadd.s32 $0x1900, s8;
	[sflag:s25] =	ssyncadd.s32 $0xFFFFCE00;
	(pc) =	sbr.rel @p0 .LBB2_6-.Ltmp2, $4  }
0xc0: {  	[tilespmem:s18], [sflag:$0x1] =	stream.indirect.gather [hbm4b:s4+s21], $0x80, s9, s21, $0xb8;
	[tilespmem:$0x1E000] =	vst v63  }
0xc1: {  	_ =	swait.ge [sflag:s28], $0x3200  }
0xc2: {  	[sflag:s28] =	ssyncset.done $0x0  }
0xc3: {  	s8 =	sadd.s32 $0x3480, s8;
	[sflag:s28] =	ssyncadd.s32 $0xFFFFCE00  }
0xc4: {  	[spmem:s2] =	stream.indirect.scatter.add.f32 [tilespmem:s23], [sflag:$0x4], $0x80, s8, s21, $0xb8;
	[tilespmem:$0x1E000] =	vst v63  }
0xc5: {  	_ =	swait.ge [sflag:s30], $0x3200  }
0xc6: {  	[sflag:s30] =	ssyncset.done $0x0  }
0xc7: {  	[sflag:s30] =	ssyncadd.s32 $0xFFFFCE00  }
0xc8: {  	[tilespmem:s23], [sflag:$0x2] =	stream.indirect.gather [hbm4b:s4+s21], $0x80, s31, s21, $0xb8;
	[tilespmem:$0x1E000] =	vst v63  }
0xc9: {  	_ =	swait.ge [sflag:s24], $0x3200  }
0xca: {  	[sflag:s24] =	ssyncset.done $0x0  }
0xcb: {  	[sflag:s24] =	ssyncadd.s32 $0xFFFFCE00  }
0xcc: {  	[spmem:s2] =	stream.indirect.scatter.add.f32 [tilespmem:s18], [sflag:$0x3], $0x80, s1, s21, $0xb8;
	[tilespmem:$0x1E000] =	vst v63  }
0xcd: {  	_ =	swait.ge [sflag:s28], $0x3200  }
0xce: {  	[sflag:s28] =	ssyncset.done $0x0  }
0xcf: {  	[sflag:s28] =	ssyncadd.s32 $0xFFFFCE00  }
0xd0: {  	[spmem:s2] =	stream.indirect.scatter.add.f32 [tilespmem:s23], [sflag:$0x4], $0x80, s0, s21, $0xb8;
	[tilespmem:$0x1E000] =	vst v63  }
0xd1: {  	_ =	swait.ge [sflag:s25], $0x3200  }
0xd2: {  	[sflag:s25] =	ssyncset.done $0x0  }
0xd3: {  	[sflag:s25] =	ssyncadd.s32 $0xFFFFCE00  }
0xd4: {  	s7 =	stileid.u32;
	_ =	swait.ge [sflag:s30], $0x3200  }
0xd5: {  	s9 =	sshrl.u32 s5, $0x3;
	s6 =	sadd.s32 $0x1, s6;
	[sflag:s30] =	ssyncset.done $0x0  }
0xd6: {  	s7 =	sshll.u32 s7, $0x6;
	p0 =	sne.s32 s6, s17;
	[sflag:s30] =	ssyncadd.s32 $0xFFFFCE00  }
.Ltmp3:
0xd7: {  	s7 =	sor.u32 $0x1C05, s7;
	[bflag:$0x0] =	sbarrier.arrive $0xFFFF;
	(pc) =	sbr.rel @p0 .LBB2_1-.Ltmp3, $4  }
0xd8: {  	[hbm:s16], [sflag:s7] =	dma.local [spmem:s9], $0x2800  }
0xd9: {  	_ =	swait.ge [sflag:s19], $0x2800  }
0xda: {  	[sflag:s19] =	ssyncset.done $0x0  }
0xdb: {  	[sflag:s19] =	ssyncadd.s32 $0xFFFFD800  }
0xdc: {  	_ =	sfence.sel $0x180000  }
0xdd: {  	[bflag:$0x0] =	sbarrier.arrive $0xFFFF  }
0xde: {  	_ =	strace $0x9000004A  }
0xdf: {  	s0 =	stileid.u32;
	[bflag:$0x2] =	sbarrier.arrive $0xFFFF  }
0xe0: {  	p0 =	sne.s32 s0, $0x0;
	s0 =	rddreg [dreg:$0x2]  }
0xe1: {  	s0 =	sadd.s32 @!p0 $0x100000, s0  }
0xe2: {  	[sflag:s0] =	ssyncadd.tile.s32 @!p0 $0x1;
	_ =	shalt  }
.Lfunc_end2:
_tile_overlayer_lowered:
.L_overlay_start_2:
0xe3: {  	(tag) =	ssettag $0x2  }
0xe4: {  	s0 =	rddreg [dreg:$0x0];
	s2 =	stileid.u32  }
0xe5: {  	s1 =	rddreg [dreg:$0x1];
	p0 =	sne.s32 s2, $0x0  }
0xe6: {  	s3 =	rddreg [dreg:$0x2];
	[bflag:$0x3] =	sbarrier.arrive $0xFFFF;
	s2 =	simm.s32 @!p0 $0x1C05  }
0xe7: {  	[timem:s3], [sflag:s2] =	dma.local @!p0 [hbm:s0], s1  }
0xe8: {  	s0 =	simm.s32 @!p0 $0x5  }
0xe9: {  	_ =	swait.ge @!p0 [sflag:s0], s1  }
0xea: {  	s1 =	ssub.s32 @!p0 $0x0, s1;
	[sflag:s0] =	ssyncset.done @!p0 $0x0  }
0xeb: {  	[sflag:s0] =	ssyncadd.s32 @!p0 s1  }
0xec: {  	[bflag:$0x3] =	sbarrier.arrive $0xFFFF  }
0xed: {  	_ =	shalt  }

// kernel: kernel.14.cloned.1.call-start
scs
__scs_entry_jumppad:
0x0: {  	(pc) =	sbr.rel $0x88, $3  }
0x1: {  	(tag) =	ssettag $0x0;
	lr =	simm.s32 $0x1  }
0x2: {  	[smem:$0x3F9B] =	sst lr;
	_ =	strace $0xD0000000  }
0x3: {  	_ = 	snop  }
0x4: {  	_ = 	snop  }
0x5: {  	_ = 	snop  }
0x6: {  	_ = 	snop  }
0x7: {  	_ = 	snop  }
__scs_overlays_trampoline_lowered:
0x8: {  	[smem:$0x3FAA] =	sst s0  }
0x9: {  	[smem:$0x3FAB] =	sst s1  }
0xa: {  	[smem:$0x3FAC] =	sst s2  }
0xb: {  	[smem:$0x3FAD] =	sst s3  }
0xc: {  	[smem:$0x3FAE] =	sst s4  }
0xd: {  	[smem:$0x3FAF] =	sst s5  }
0xe: {  	[smem:$0x3FB0] =	sst s6  }
0xf: {  	[smem:$0x3FB1] =	sst s7  }
0x10: {  	[smem:$0x3FB2] =	sst s8  }
0x11: {  	[smem:$0x3FB3] =	sst s9;
	s0 =	simm.s32 @!p0 $0x0  }
0x12: {  	s1 =	sld [smem:$0x3F99];
	s0 =	simm.s32 @p0 $0x1  }
0x13: {  	[smem:$0x3FB4] =	sst s0;
	s0 =	simm.s32 @!p1 $0x0  }
0x14: {  	s2 =	sld [smem:$0x3F98];
	s0 =	simm.s32 @p1 $0x1  }
0x15: {  	[smem:$0x3FB5] =	sst s0;
	s0 =	simm.s32 @!p2 $0x0  }
0x16: {  	s3 =	sld [smem:$0x3FDB];
	s0 =	simm.s32 @p2 $0x1  }
0x17: {  	s4 =	simm.s32 $0x1BF5;
	[smem:$0x3FB7] =	sst s0  }
0x18: {  	s0 =	sld [smem:$0x3F9A];
	_ =	swait.ge [sflag:s4], $0x0  }
0x19: {  	s7 =	sld [smem:$0x3F9B]  }
0x1a: {  	s8 =	sadd.s32 $0xFFFFE003, lr  }
0x1b: {  	s9 =	sadd.s32 $0xFFFFFEF7, lr;
	s5 =	simm.s32 $0xFFFFFFFF;
	p2 =	slt.u32 s8, $0xFFFFF086  }
0x1c: {  	p1 =	slt.u32 s9, $0xF7A;
	s5 =	simm.s32 @!p2 $0x0  }
0x1d: {  	s5 =	simm.s32 @p1 $0x1;
	p0 =	seq.s32 s7, s2  }
0x1e: {  	s7 =	smul.u32 @!p0 $0xF7A, s2;
	p2 =	seq.s32 @!p0 s5, $0x0  }
0x1f: {  	s9 =	smul.u32 $0xF7A, s1;
	s8 =	simm.s32 @!p0 $0x1BF5;
	p2 =	por !p2, p0  }
0x20: {  	[sflag:s8] =	ssyncset.s32 @!p0 $0xFFFFF086;
	s6 =	sadd.s32 @!p0 s3, s7;
	s7 =	simm.s32 @!p0 $0x108  }
0x21: {  	s3 =	sadd.s32 s3, s9;
	s6 =	sadd.s32 @!p0 $0x88, s6;
	s7 =	simm.s32 @p2 $0x1082  }
0x22: {  	[simem:s7], [sflag:s8] =	dma.local @!p0 [hbm:s6], $0xF7A  }
0x23: {  	s9 =	sor.u32 $0xD0000000, s2;
	s6 =	simm.s32 $0x108;
	_ =	swait.ge @!p0 [sflag:s8], $0x0  }
0x24: {  	s3 =	sadd.s32 $0x88, s3;
	s6 =	simm.s32 @!p1 $0x1082;
	[sflag:s4] =	ssyncset.s32 $0xFFFFF086  }
0x25: {  	[simem:s6], [sflag:s4] =	dma.local [hbm:s3], $0xF7A  }
0x26: {  	[smem:$0x3F9B] =	sst s1;
	(tag) =	ssettag s2;
	_ =	strace s9  }
0x27: {  	s1 =	sld [smem:$0x3FAB]  }
0x28: {  	s2 =	sld [smem:$0x3FAC]  }
0x29: {  	s4 =	sld [smem:$0x3FAE]  }
0x2a: {  	p0 =	seq.s32 s5, $0x0;
	s5 =	sld [smem:$0x3FAF]  }
0x2b: {  	s6 =	sld [smem:$0x3FB0]  }
0x2c: {  	s7 =	sld [smem:$0x3FB1]  }
0x2d: {  	s3 =	simm.s32 $0x108;
	s8 =	sld [smem:$0x3FB2]  }
0x2e: {  	s3 =	simm.s32 @!p0 $0x1082;
	s9 =	sld [smem:$0x3FB3]  }
0x2f: {  	lr =	sadd.s32 s0, s3;
	s0 =	sld [smem:$0x3FAA]  }
0x30: {  	s3 =	sld [smem:$0x3FAD]  }
0x31: {  	[smem:$0x3FB6] =	sst s10  }
0x32: {  	s10 =	sld [smem:$0x3FB4];
	_ =	sdelay $0x3  }
0x33: {  	p0 =	seq.s32 s10, $0x1;
	s10 =	sld [smem:$0x3FB6];
	_ =	sdelay $0x3  }
0x34: {  	[smem:$0x3FB6] =	sst s10  }
0x35: {  	s10 =	sld [smem:$0x3FB5];
	_ =	sdelay $0x3  }
0x36: {  	p1 =	seq.s32 s10, $0x1;
	s10 =	sld [smem:$0x3FB6];
	_ =	sdelay $0x3  }
0x37: {  	[smem:$0x3FB6] =	sst s10  }
0x38: {  	s10 =	sld [smem:$0x3FB7]  }
0x39: {  	_ = 	snop;
	(pc) =	sbr.ind lr, $3  }
0x3a: {  	_ = 	snop  }
0x3b: {  	_ = 	snop  }
0x3c: {  	p2 =	seq.s32 s10, $0x1;
	s10 =	sld [smem:$0x3FB6]  }
0x3d: {  	_ =	shalt  }
0x3e: {  	_ =	shalt  }
0x3f: {  	_ =	shalt  }
0x40: {  	_ =	shalt  }
0x41: {  	_ =	shalt  }
0x42: {  	_ =	shalt  }
0x43: {  	_ =	shalt  }
0x44: {  	_ =	shalt  }
0x45: {  	_ =	shalt  }
0x46: {  	_ =	shalt  }
0x47: {  	_ =	shalt  }
0x48: {  	_ =	shalt  }
0x49: {  	_ =	shalt  }
0x4a: {  	_ =	shalt  }
0x4b: {  	_ =	shalt  }
0x4c: {  	_ =	shalt  }
0x4d: {  	_ =	shalt  }
0x4e: {  	_ =	shalt  }
0x4f: {  	_ =	shalt  }
0x50: {  	_ =	shalt  }
0x51: {  	_ =	shalt  }
0x52: {  	_ =	shalt  }
0x53: {  	_ =	shalt  }
0x54: {  	_ =	shalt  }
0x55: {  	_ =	shalt  }
0x56: {  	_ =	shalt  }
0x57: {  	_ =	shalt  }
0x58: {  	_ =	shalt  }
0x59: {  	_ =	shalt  }
0x5a: {  	_ =	shalt  }
0x5b: {  	_ =	shalt  }
0x5c: {  	_ =	shalt  }
0x5d: {  	_ =	shalt  }
0x5e: {  	_ =	shalt  }
0x5f: {  	_ =	shalt  }
0x60: {  	_ =	shalt  }
0x61: {  	_ =	shalt  }
0x62: {  	_ =	shalt  }
0x63: {  	_ =	shalt  }
0x64: {  	_ =	shalt  }
0x65: {  	_ =	shalt  }
0x66: {  	_ =	shalt  }
0x67: {  	_ =	shalt  }
0x68: {  	_ =	shalt  }
0x69: {  	_ =	shalt  }
0x6a: {  	_ =	shalt  }
0x6b: {  	_ =	shalt  }
0x6c: {  	_ =	shalt  }
0x6d: {  	_ =	shalt  }
0x6e: {  	_ =	shalt  }
0x6f: {  	_ =	shalt  }
0x70: {  	_ =	shalt  }
0x71: {  	_ =	shalt  }
0x72: {  	_ =	shalt  }
0x73: {  	_ =	shalt  }
0x74: {  	_ =	shalt  }
0x75: {  	_ =	shalt  }
0x76: {  	_ =	shalt  }
0x77: {  	_ =	shalt  }
0x78: {  	_ =	shalt  }
0x79: {  	_ =	shalt  }
0x7a: {  	_ =	shalt  }
0x7b: {  	_ =	shalt  }
0x7c: {  	_ =	shalt  }
0x7d: {  	_ =	shalt  }
0x7e: {  	_ =	shalt  }
0x7f: {  	_ =	shalt  }
0x80: {  	_ =	shalt  }
0x81: {  	_ =	shalt  }
0x82: {  	_ =	shalt  }
0x83: {  	_ =	shalt  }
0x84: {  	_ =	shalt  }
0x85: {  	_ =	shalt  }
0x86: {  	_ =	shalt  }
0x87: {  	_ =	shalt  }
.Lfunc_end0:
.L_simem_size_0:
called_computation.2_lowered:
.L_overlay_start_0:
0x88: {  	s2 =	sld [smem:$0x3FD9]  }
0x89: {  	s3 =	sld [smem:$0x3FFE];
	_ =	sdelay $0x1  }
0x8a: {  	s1 =	srdreg.scid  }
0x8b: {  	s0 =	sand.u32 $0x1, s1  }
0x8c: {  	s17 =	sshll.u32 s0, $0xA;
	s2 =	sadd.s32 s3, s2  }
0x8d: {  	s2 =	sadd.s32 s2, s17  }
0x8e: {  	[smem:$0x3FC2] =	sst s2  }
0x8f: {  	_ = 	snop  }
0x90: {  	s2 =	sld [smem:$0x3FD0];
	(tm) =	ssettm $0x1  }
0x91: {  	s18 =	sld [smem:$0x3FFB];
	_ =	sdelay $0x3  }
0x92: {  	_ =	strace s18  }
0x93: {  	s3 =	sld [smem:$0x3FFC];
	_ =	sdelay $0x3  }
0x94: {  	_ =	strace s3  }
0x95: {  	s3 =	sld [smem:$0x3FFD];
	_ =	sdelay $0x3  }
0x96: {  	_ =	strace s3  }
0x97: {  	_ =	strace $0x8FFFFFFF  }
0x98: {  	s19 =	sld [smem:$0x3FDB];
	_ =	sdelay $0x1  }
0x99: {  	s4 =	simm.s32 $_scs_section_size  }
0x9a: {  	s5 =	simm.s32 $_size__tile_overlayer_lowered;
	s6 =	simm.s32 $_tile_overlayer_lowered  }
0x9b: {  	s22 =	simm.s32 $0x1BFF;
	s21 =	sshll.u32 s6, $0x1;
	s3 =	sadd.s32 s4, s19  }
0x9c: {  	s7 =	simm.s32 $0x0;
	s20 =	sshll.u32 s5, $0x1;
	s5 =	sadd.s32 s21, s3  }
0x9d: {  	[timem:s7], [sflag:s22] =	dma.local [hbm:s5], s20  }
0x9e: {  	_ =	swait.ge [sflag:s22], s20  }
0x9f: {  	s4 =	ssub.s32 $0x0, s20;
	[sflag:s22] =	ssyncset.done $0x0  }
0xa0: {  	[sflag:s22] =	ssyncadd.s32 s4;
	_ =	sdelay $0x1  }
0xa1: {  	s23 =	simm.s32 $0x1B8B  }
0xa2: {  	_ =	swait.ge [sflag:s23], $0x1  }
0xa3: {  	[sflag:s23] =	ssyncset.done $0x0  }
0xa4: {  	s25 =	simm.s32 $0x1B8E;
	s24 =	sld [smem:$0x3FFE];
	[sflag:s23] =	ssyncadd.s32 $0xFFFFFFFF  }
0xa5: {  	s26 =	simm.s32 $execute0_lowered;
	[smem:$0x3FD2] =	sst s25  }
0xa6: {  	s5 =	sshll.u32 s26, $0x1;
	_ =	strace $0x8000004C;
	[dreg:$0x1] =	wrdreg $0xFFFFFFFF  }
0xa7: {  	s28 =	simm.s32 $_size_execute0_lowered;
	s3 =	sadd.s32 s3, s5;
	[dreg:$0x0] =	wrdreg $0x0  }
0xa8: {  	s5 =	sshll.u32 s28, $0x1;
	[dreg:$0x2] =	wrdreg s3  }
0xa9: {  	[dreg:$0x3] =	wrdreg s5  }
0xaa: {  	[dreg:$0x4] =	wrdreg $0xC0  }
0xab: {  	_ =	task [dreg:s7], $0x5FFFF  }
0xac: {  	[dreg:$0x1] =	wrdreg $0xFFFFFFFF  }
0xad: {  	[dreg:$0x0] =	wrdreg $0x60  }
0xae: {  	[dreg:$0x2] =	wrdreg s24  }
0xaf: {  	[dreg:$0x3] =	wrdreg s2  }
0xb0: {  	[dreg:$0x4] =	wrdreg $0x9  }
0xb1: {  	_ =	task.clear_ibuf [dreg:s7], $0x5FFFF;
	_ =	strace $0x9000004C  }
0xb2: {  	s29 =	simm.s32 $0x9;
	_ =	strace $0x8000004E  }
0xb3: {  	_ =	swait.ge [sflag:s29], $0x1  }
0xb4: {  	[sflag:s29] =	ssyncadd.s32 $0xFFFFFFFF  }
0xb5: {  	_ =	strace $0x9000004E  }
0xb6: {  	_ =	sfence  }
0xb7: {  	s30 =	sld [smem:$0x0];
	_ =	sdelay $0x2  }
0xb8: {  	s31 =	sshll.u32 s1, $0xD;
	s1 =	sshrl.u32 s1, $0x2  }
0xb9: {  	s3 =	sand.u32 $0x4000, s31;
	s1 =	sadd.s32 s1, s30  }
0xba: {  	s0 =	sor.u32 s3, s0;
	s1 =	sshll.u32 s1, $0x11  }
0xbb: {  	s0 =	sor.u32 s1, s0  }
0xbc: {  	s0 =	sadd.s32 $0x8F2B, s0  }
0xbd: {  	[sflag:s0] =	ssyncadd.remote.s32 $0x1  }
0xbe: {  	_ =	sfence.sel $0xFFFF  }
0xbf: {  	[dreg:$0x0] =	wrdreg $0xFFFFFFFF;
	(pc) =	sbr.abs _section_cstart, $3  }
0xc0: {  	[dreg:$0x1] =	wrdreg $0xFFFFFFFF  }
0xc1: {  	_ =	task.clear_ibuf [dreg:s7], $0x2FFFF;
	_ =	strace $0x9FFFFFFF  }
0xc2: {  	(tm) =	ssettm $0x7FFFFFFF  }
0xc3: {  	_ =	shalt  }
tec
execute0_lowered:
.L_overlay_start_1:
0x0: {  	(tag) =	ssettag $0x1  }
0x1: {  	s0 =	srdreg.scid;
	s5 =	rddreg [dreg:$0x0]  }
0x2: {  	s2 =	rddreg [dreg:$0x1];
	s3 =	simm.s32 $0x0;
	s4 =	sand.u32 $0x1, s0  }
0x3: {  	s8 =	simm.s32 $0x1;
	s0 =	stileid.u32;
	s1 =	sshll.u32 s4, $0x4  }
0x4: {  	s9 =	simm.s32 $0x2780;
	s10 =	simm.s32 $0x4F00;
	s1 =	sor.u32 s0, s1  }
0x5: {  	s11 =	simm.s32 $0x7680;
	s4 =	ssub.s32 $0x2, s4;
	s6 =	smul.u32 $0x2780, s1  }
0x6: {  	s12 =	simm.s32 $0x0;
	[smem:$0x7FF] =	sst s3;
	s7 =	sshrl.u32 s4, $0x1  }
0x7: {  	s1 =	rddreg [dreg:$0x2];
	s7 =	ssub.s32 s4, s7;
	s6 =	sshrl.u32 s6, $0x3  }
0x8: {  	_ =	strace $0x8000004D;
	s7 =	smax.u32 s7, $0x1;
	s6 =	sadd.s32 s6, s5  }
0x9: {  	v0 =	vimm.f32 $0.0e+00;
	s4 =	sadd.s32 $0x2E00, s6;
	s5 =	sadd.s32 $0xCC00, s6;
	s6 =	sadd.s32 $0x20800, s6  }
.LBB2_1:
0xa: {  	[tilespmem:s3], [sflag:$0x1] =	stream.linear.gather [hbm4b:s4+s3], $0x2780, $0x38;
	[tilespmem:$0x9E00] =	vst v63  }
0xb: {  	_ =	swait.ge [sflag:s8], $0x2780  }
0xc: {  	[sflag:s8] =	ssyncset.done $0x0  }
0xd: {  	[sflag:s8] =	ssyncadd.s32 $0xFFFFD880  }
0xe: {  	[tilespmem:s9], [sflag:$0x1] =	stream.linear.gather [hbm4b:s5+s3], $0x2780, $0x38;
	[tilespmem:$0x9E00] =	vst v63  }
0xf: {  	_ =	swait.ge [sflag:s8], $0x2780  }
0x10: {  	[sflag:s8] =	ssyncset.done $0x0  }
0x11: {  	[sflag:s8] =	ssyncadd.s32 $0xFFFFD880  }
0x12: {  	[tilespmem:s10], [sflag:$0x1] =	stream.linear.gather [hbm4b:s2+s3], $0x2780, $0x38;
	[tilespmem:$0x9E00] =	vst v63  }
0x13: {  	_ =	swait.ge [sflag:s8], $0x2780  }
0x14: {  	[sflag:s8] =	ssyncset.done $0x0  }
0x15: {  	s13 =	simm.s32 $0x0;
	[sflag:s8] =	ssyncadd.s32 $0xFFFFD880  }
.LBB2_2:
0x16: {  	p0 =	sne.s32 s13, $0x9C00  }
.Ltmp0:
0x17: {  	_ = 	snop;
	(pc) =	sbr.rel @p0 .LBB2_2-.Ltmp0, $3  }
0x18: {  	_ =	sdelay $0x1  }
0x19: {  	s14 =	sshra.s32 s13, $0x2  }
0x1a: {  	s13 =	sadd.s32 $0x40, s13;
	[tilespmem:s14+$0x7680] =	vst v0  }
0x1b: {  	s13 =	simm.s32 $0x0  }
.LBB2_4:
0x1c: {  	s14 =	sshra.s32 s13, $0x2  }
0x1d: {  	v1 =	vld [tilespmem:s14+$0x0];
	_ =	sdelay $0x4  }
0x1e: {  	v2 =	vld [tilespmem:s14+$0x2780];
	_ =	sdelay $0x2  }
0x1f: {  	v1 =	vld.idx.msk [tilespmem:v1+s10+$0x0], $0xffff;
	_ =	sdelay $0x4  }
0x20: {  	[tilespmem:v2+s11+$0x0] =	vst.idx.add.f32.msk $0xffff, v1  }
0x21: {  	v1 =	vld [tilespmem:s14+$0x10];
	_ =	sdelay $0x4  }
0x22: {  	v2 =	vld [tilespmem:s14+$0x2790];
	_ =	sdelay $0x2  }
0x23: {  	v1 =	vld.idx.msk [tilespmem:v1+s10+$0x0], $0xffff;
	_ =	sdelay $0x4  }
0x24: {  	[tilespmem:v2+s11+$0x0] =	vst.idx.add.f32.msk $0xffff, v1  }
0x25: {  	v1 =	vld [tilespmem:s14+$0x20];
	_ =	sdelay $0x4  }
0x26: {  	v2 =	vld [tilespmem:s14+$0x27A0];
	_ =	sdelay $0x2  }
0x27: {  	v1 =	vld.idx.msk [tilespmem:v1+s10+$0x0], $0xffff;
	_ =	sdelay $0x4  }
0x28: {  	[tilespmem:v2+s11+$0x0] =	vst.idx.add.f32.msk $0xffff, v1  }
0x29: {  	v1 =	vld [tilespmem:s14+$0x30];
	_ =	sdelay $0x4  }
0x2a: {  	v2 =	vld [tilespmem:s14+$0x27B0];
	_ =	sdelay $0x2  }
0x2b: {  	p0 =	sne.s32 s13, $0x9B00;
	v1 =	vld.idx.msk [tilespmem:v1+s10+$0x0], $0xffff  }
.Ltmp1:
0x2c: {  	_ = 	snop;
	(pc) =	sbr.rel @p0 .LBB2_4-.Ltmp1, $2  }
0x2d: {  	_ =	sdelay $0x2  }
0x2e: {  	s13 =	sadd.s32 $0x100, s13;
	[tilespmem:v2+s11+$0x0] =	vst.idx.add.f32.msk $0xffff, v1  }
0x2f: {  	s12 =	sadd.s32 $0x1, s12  }
0x30: {  	p0 =	sne.s32 s12, s7  }
.Ltmp2:
0x31: {  	_ = 	snop;
	(pc) =	sbr.rel @p0 .LBB2_1-.Ltmp2, $4  }
0x32: {  	[hbm4b:s6+s3] =	stream.linear.scatter [tilespmem:s11], [sflag:$0x1], $0x2780, $0x38;
	[tilespmem:$0x9E00] =	vst v63  }
0x33: {  	_ =	swait.ge [sflag:s8], $0x2780  }
0x34: {  	[sflag:s8] =	ssyncset.done $0x0  }
0x35: {  	[sflag:s8] =	ssyncadd.s32 $0xFFFFD880  }
0x36: {  	_ =	sfence.sel $0x180000  }
0x37: {  	[bflag:$0x0] =	sbarrier.arrive $0xFFFF  }
0x38: {  	p0 =	sne.s32 s0, $0x0;
	_ =	strace $0x9000004D  }
0x39: {  	s0 =	sadd.s32 @!p0 $0x100000, s1;
	[bflag:$0x2] =	sbarrier.arrive $0xFFFF  }
0x3a: {  	[sflag:s0] =	ssyncadd.tile.s32 @!p0 $0x1;
	_ =	shalt  }
.Lfunc_end2:
_tile_overlayer_lowered:
.L_overlay_start_2:
0x3b: {  	(tag) =	ssettag $0x2  }
0x3c: {  	s0 =	rddreg [dreg:$0x0];
	s2 =	stileid.u32  }
0x3d: {  	s1 =	rddreg [dreg:$0x1];
	p0 =	sne.s32 s2, $0x0  }
0x3e: {  	s3 =	rddreg [dreg:$0x2];
	[bflag:$0x3] =	sbarrier.arrive $0xFFFF;
	s2 =	simm.s32 @!p0 $0x1C01  }
0x3f: {  	[timem:s3], [sflag:s2] =	dma.local @!p0 [hbm:s0], s1  }
0x40: {  	s0 =	simm.s32 @!p0 $0x1  }
0x41: {  	_ =	swait.ge @!p0 [sflag:s0], s1  }
0x42: {  	s1 =	ssub.s32 @!p0 $0x0, s1;
	[sflag:s0] =	ssyncset.done @!p0 $0x0  }
0x43: {  	[sflag:s0] =	ssyncadd.s32 @!p0 s1  }
0x44: {  	[bflag:$0x3] =	sbarrier.arrive $0xFFFF  }
0x45: {  	_ =	shalt  }

// kernel: kernel.8.cloned.1.call-start
scs
__scs_entry_jumppad:
0x0: {  	(pc) =	sbr.rel $0x88, $3  }
0x1: {  	(tag) =	ssettag $0x0;
	lr =	simm.s32 $0x1  }
0x2: {  	[smem:$0x3F9B] =	sst lr;
	_ =	strace $0xD0000000  }
0x3: {  	_ = 	snop  }
0x4: {  	_ = 	snop  }
0x5: {  	_ = 	snop  }
0x6: {  	_ = 	snop  }
0x7: {  	_ = 	snop  }
__scs_overlays_trampoline_lowered:
0x8: {  	[smem:$0x3FAA] =	sst s0  }
0x9: {  	[smem:$0x3FAB] =	sst s1  }
0xa: {  	[smem:$0x3FAC] =	sst s2  }
0xb: {  	[smem:$0x3FAD] =	sst s3  }
0xc: {  	[smem:$0x3FAE] =	sst s4  }
0xd: {  	[smem:$0x3FAF] =	sst s5  }
0xe: {  	[smem:$0x3FB0] =	sst s6  }
0xf: {  	[smem:$0x3FB1] =	sst s7  }
0x10: {  	[smem:$0x3FB2] =	sst s8  }
0x11: {  	[smem:$0x3FB3] =	sst s9;
	s0 =	simm.s32 @!p0 $0x0  }
0x12: {  	s1 =	sld [smem:$0x3F99];
	s0 =	simm.s32 @p0 $0x1  }
0x13: {  	[smem:$0x3FB4] =	sst s0;
	s0 =	simm.s32 @!p1 $0x0  }
0x14: {  	s2 =	sld [smem:$0x3F98];
	s0 =	simm.s32 @p1 $0x1  }
0x15: {  	[smem:$0x3FB5] =	sst s0;
	s0 =	simm.s32 @!p2 $0x0  }
0x16: {  	s3 =	sld [smem:$0x3FDB];
	s0 =	simm.s32 @p2 $0x1  }
0x17: {  	s4 =	simm.s32 $0x1BF5;
	[smem:$0x3FB7] =	sst s0  }
0x18: {  	s0 =	sld [smem:$0x3F9A];
	_ =	swait.ge [sflag:s4], $0x0  }
0x19: {  	s7 =	sld [smem:$0x3F9B]  }
0x1a: {  	s8 =	sadd.s32 $0xFFFFE003, lr  }
0x1b: {  	s9 =	sadd.s32 $0xFFFFFEF7, lr;
	s5 =	simm.s32 $0xFFFFFFFF;
	p2 =	slt.u32 s8, $0xFFFFF086  }
0x1c: {  	p1 =	slt.u32 s9, $0xF7A;
	s5 =	simm.s32 @!p2 $0x0  }
0x1d: {  	s5 =	simm.s32 @p1 $0x1;
	p0 =	seq.s32 s7, s2  }
0x1e: {  	s7 =	smul.u32 @!p0 $0xF7A, s2;
	p2 =	seq.s32 @!p0 s5, $0x0  }
0x1f: {  	s9 =	smul.u32 $0xF7A, s1;
	s8 =	simm.s32 @!p0 $0x1BF5;
	p2 =	por !p2, p0  }
0x20: {  	[sflag:s8] =	ssyncset.s32 @!p0 $0xFFFFF086;
	s6 =	sadd.s32 @!p0 s3, s7;
	s7 =	simm.s32 @!p0 $0x108  }
0x21: {  	s3 =	sadd.s32 s3, s9;
	s6 =	sadd.s32 @!p0 $0x88, s6;
	s7 =	simm.s32 @p2 $0x1082  }
0x22: {  	[simem:s7], [sflag:s8] =	dma.local @!p0 [hbm:s6], $0xF7A  }
0x23: {  	s9 =	sor.u32 $0xD0000000, s2;
	s6 =	simm.s32 $0x108;
	_ =	swait.ge @!p0 [sflag:s8], $0x0  }
0x24: {  	s3 =	sadd.s32 $0x88, s3;
	s6 =	simm.s32 @!p1 $0x1082;
	[sflag:s4] =	ssyncset.s32 $0xFFFFF086  }
0x25: {  	[simem:s6], [sflag:s4] =	dma.local [hbm:s3], $0xF7A  }
0x26: {  	[smem:$0x3F9B] =	sst s1;
	(tag) =	ssettag s2;
	_ =	strace s9  }
0x27: {  	s1 =	sld [smem:$0x3FAB]  }
0x28: {  	s2 =	sld [smem:$0x3FAC]  }
0x29: {  	s4 =	sld [smem:$0x3FAE]  }
0x2a: {  	p0 =	seq.s32 s5, $0x0;
	s5 =	sld [smem:$0x3FAF]  }
0x2b: {  	s6 =	sld [smem:$0x3FB0]  }
0x2c: {  	s7 =	sld [smem:$0x3FB1]  }
0x2d: {  	s3 =	simm.s32 $0x108;
	s8 =	sld [smem:$0x3FB2]  }
0x2e: {  	s3 =	simm.s32 @!p0 $0x1082;
	s9 =	sld [smem:$0x3FB3]  }
0x2f: {  	lr =	sadd.s32 s0, s3;
	s0 =	sld [smem:$0x3FAA]  }
0x30: {  	s3 =	sld [smem:$0x3FAD]  }
0x31: {  	[smem:$0x3FB6] =	sst s10  }
0x32: {  	s10 =	sld [smem:$0x3FB4];
	_ =	sdelay $0x3  }
0x33: {  	p0 =	seq.s32 s10, $0x1;
	s10 =	sld [smem:$0x3FB6];
	_ =	sdelay $0x3  }
0x34: {  	[smem:$0x3FB6] =	sst s10  }
0x35: {  	s10 =	sld [smem:$0x3FB5];
	_ =	sdelay $0x3  }
0x36: {  	p1 =	seq.s32 s10, $0x1;
	s10 =	sld [smem:$0x3FB6];
	_ =	sdelay $0x3  }
0x37: {  	[smem:$0x3FB6] =	sst s10  }
0x38: {  	s10 =	sld [smem:$0x3FB7]  }
0x39: {  	_ = 	snop;
	(pc) =	sbr.ind lr, $3  }
0x3a: {  	_ = 	snop  }
0x3b: {  	_ = 	snop  }
0x3c: {  	p2 =	seq.s32 s10, $0x1;
	s10 =	sld [smem:$0x3FB6]  }
0x3d: {  	_ =	shalt  }
0x3e: {  	_ =	shalt  }
0x3f: {  	_ =	shalt  }
0x40: {  	_ =	shalt  }
0x41: {  	_ =	shalt  }
0x42: {  	_ =	shalt  }
0x43: {  	_ =	shalt  }
0x44: {  	_ =	shalt  }
0x45: {  	_ =	shalt  }
0x46: {  	_ =	shalt  }
0x47: {  	_ =	shalt  }
0x48: {  	_ =	shalt  }
0x49: {  	_ =	shalt  }
0x4a: {  	_ =	shalt  }
0x4b: {  	_ =	shalt  }
0x4c: {  	_ =	shalt  }
0x4d: {  	_ =	shalt  }
0x4e: {  	_ =	shalt  }
0x4f: {  	_ =	shalt  }
0x50: {  	_ =	shalt  }
0x51: {  	_ =	shalt  }
0x52: {  	_ =	shalt  }
0x53: {  	_ =	shalt  }
0x54: {  	_ =	shalt  }
0x55: {  	_ =	shalt  }
0x56: {  	_ =	shalt  }
0x57: {  	_ =	shalt  }
0x58: {  	_ =	shalt  }
0x59: {  	_ =	shalt  }
0x5a: {  	_ =	shalt  }
0x5b: {  	_ =	shalt  }
0x5c: {  	_ =	shalt  }
0x5d: {  	_ =	shalt  }
0x5e: {  	_ =	shalt  }
0x5f: {  	_ =	shalt  }
0x60: {  	_ =	shalt  }
0x61: {  	_ =	shalt  }
0x62: {  	_ =	shalt  }
0x63: {  	_ =	shalt  }
0x64: {  	_ =	shalt  }
0x65: {  	_ =	shalt  }
0x66: {  	_ =	shalt  }
0x67: {  	_ =	shalt  }
0x68: {  	_ =	shalt  }
0x69: {  	_ =	shalt  }
0x6a: {  	_ =	shalt  }
0x6b: {  	_ =	shalt  }
0x6c: {  	_ =	shalt  }
0x6d: {  	_ =	shalt  }
0x6e: {  	_ =	shalt  }
0x6f: {  	_ =	shalt  }
0x70: {  	_ =	shalt  }
0x71: {  	_ =	shalt  }
0x72: {  	_ =	shalt  }
0x73: {  	_ =	shalt  }
0x74: {  	_ =	shalt  }
0x75: {  	_ =	shalt  }
0x76: {  	_ =	shalt  }
0x77: {  	_ =	shalt  }
0x78: {  	_ =	shalt  }
0x79: {  	_ =	shalt  }
0x7a: {  	_ =	shalt  }
0x7b: {  	_ =	shalt  }
0x7c: {  	_ =	shalt  }
0x7d: {  	_ =	shalt  }
0x7e: {  	_ =	shalt  }
0x7f: {  	_ =	shalt  }
0x80: {  	_ =	shalt  }
0x81: {  	_ =	shalt  }
0x82: {  	_ =	shalt  }
0x83: {  	_ =	shalt  }
0x84: {  	_ =	shalt  }
0x85: {  	_ =	shalt  }
0x86: {  	_ =	shalt  }
0x87: {  	_ =	shalt  }
.Lfunc_end0:
.L_simem_size_0:
called_computation_lowered:
.L_overlay_start_0:
0x88: {  	s2 =	sld [smem:$0x3FD9]  }
0x89: {  	s3 =	sld [smem:$0x3FFE];
	_ =	sdelay $0x1  }
0x8a: {  	s1 =	srdreg.scid  }
0x8b: {  	s0 =	sand.u32 $0x1, s1  }
0x8c: {  	s16 =	sshll.u32 s0, $0xA;
	s2 =	sadd.s32 s3, s2  }
0x8d: {  	s2 =	sadd.s32 s2, s16  }
0x8e: {  	[smem:$0x3FC2] =	sst s2  }
0x8f: {  	_ = 	snop  }
0x90: {  	(tm) =	ssettm $0x1  }
0x91: {  	s17 =	sld [smem:$0x3FFB];
	_ =	sdelay $0x3  }
0x92: {  	_ =	strace s17  }
0x93: {  	s2 =	sld [smem:$0x3FFC];
	_ =	sdelay $0x3  }
0x94: {  	_ =	strace s2  }
0x95: {  	s2 =	sld [smem:$0x3FFD];
	_ =	sdelay $0x3  }
0x96: {  	_ =	strace s2  }
0x97: {  	_ =	strace $0x8FFFFFFF  }
0x98: {  	s18 =	sld [smem:$0x3FDB];
	_ =	sdelay $0x1  }
0x99: {  	s19 =	simm.s32 $_scs_section_size  }
0x9a: {  	s4 =	simm.s32 $_size__tile_overlayer_lowered;
	s5 =	simm.s32 $_tile_overlayer_lowered  }
0x9b: {  	s22 =	simm.s32 $0x1BFF;
	s21 =	sshll.u32 s5, $0x1;
	s2 =	sadd.s32 s19, s18  }
0x9c: {  	s6 =	simm.s32 $0x0;
	s20 =	sshll.u32 s4, $0x1;
	s4 =	sadd.s32 s21, s2  }
0x9d: {  	[timem:s6], [sflag:s22] =	dma.local [hbm:s4], s20  }
0x9e: {  	_ =	swait.ge [sflag:s22], s20  }
0x9f: {  	s3 =	ssub.s32 $0x0, s20;
	[sflag:s22] =	ssyncset.done $0x0  }
0xa0: {  	[sflag:s22] =	ssyncadd.s32 s3;
	_ =	sdelay $0x1  }
0xa1: {  	s23 =	simm.s32 $0x1B8B  }
0xa2: {  	_ =	swait.ge [sflag:s23], $0x1  }
0xa3: {  	[sflag:s23] =	ssyncset.done $0x0  }
0xa4: {  	s25 =	simm.s32 $0x1B8E;
	s24 =	sld [smem:$0x3FFE];
	[sflag:s23] =	ssyncadd.s32 $0xFFFFFFFF  }
0xa5: {  	s26 =	simm.s32 $execute0_lowered;
	[smem:$0x3FD2] =	sst s25  }
0xa6: {  	s4 =	sshll.u32 s26, $0x1;
	_ =	strace $0x80000046;
	[dreg:$0x1] =	wrdreg $0xFFFFFFFF  }
0xa7: {  	s28 =	simm.s32 $_size_execute0_lowered;
	s2 =	sadd.s32 s2, s4;
	[dreg:$0x0] =	wrdreg $0x0  }
0xa8: {  	s4 =	sshll.u32 s28, $0x1;
	[dreg:$0x2] =	wrdreg s2  }
0xa9: {  	[dreg:$0x3] =	wrdreg s4  }
0xaa: {  	[dreg:$0x4] =	wrdreg $0xC0  }
0xab: {  	_ =	task [dreg:s6], $0x5FFFF  }
0xac: {  	[dreg:$0x1] =	wrdreg $0xFFFFFFFF  }
0xad: {  	[dreg:$0x0] =	wrdreg $0x60  }
0xae: {  	[dreg:$0x2] =	wrdreg s24  }
0xaf: {  	[dreg:$0x3] =	wrdreg $0x9  }
0xb0: {  	_ =	task.clear_ibuf [dreg:s6], $0x4FFFF;
	_ =	strace $0x90000046  }
0xb1: {  	s29 =	simm.s32 $0x9;
	_ =	strace $0x80000048  }
0xb2: {  	_ =	swait.ge [sflag:s29], $0x1  }
0xb3: {  	[sflag:s29] =	ssyncadd.s32 $0xFFFFFFFF  }
0xb4: {  	_ =	strace $0x90000048  }
0xb5: {  	_ =	sfence  }
0xb6: {  	s30 =	sld [smem:$0x0];
	_ =	sdelay $0x2  }
0xb7: {  	s31 =	sshll.u32 s1, $0xD;
	s1 =	sshrl.u32 s1, $0x2  }
0xb8: {  	s3 =	sand.u32 $0x4000, s31;
	s1 =	sadd.s32 s1, s30  }
0xb9: {  	s0 =	sor.u32 s3, s0;
	s1 =	sshll.u32 s1, $0x11  }
0xba: {  	s0 =	sor.u32 s1, s0  }
0xbb: {  	s0 =	sadd.s32 $0x8F2B, s0  }
0xbc: {  	[sflag:s0] =	ssyncadd.remote.s32 $0x1  }
0xbd: {  	_ =	sfence.sel $0xFFFF  }
0xbe: {  	[dreg:$0x0] =	wrdreg $0xFFFFFFFF;
	(pc) =	sbr.abs _section_cstart, $3  }
0xbf: {  	[dreg:$0x1] =	wrdreg $0xFFFFFFFF  }
0xc0: {  	_ =	task.clear_ibuf [dreg:s6], $0x2FFFF;
	_ =	strace $0x9FFFFFFF  }
0xc1: {  	(tm) =	ssettm $0x7FFFFFFF  }
tec
execute0_lowered:
.L_overlay_start_1:
0x0: {  	(tag) =	ssettag $0x1  }
0x1: {  	s0 =	srdreg.scid  }
0x2: {  	s3 =	sand.u32 $0x1, s0  }
0x3: {  	s0 =	stileid.u32;
	s1 =	sshll.u32 s3, $0x4  }
0x4: {  	s4 =	rddreg [dreg:$0x0];
	s2 =	simm.s32 $0x0;
	s1 =	sor.u32 s0, s1  }
0x5: {  	s7 =	simm.s32 $0x2780;
	s3 =	ssub.s32 $0x2, s3;
	s5 =	smul.u32 $0x2780, s1  }
0x6: {  	s8 =	simm.s32 $0x0;
	[smem:$0x7FF] =	sst s2;
	s6 =	sshrl.u32 s3, $0x1  }
0x7: {  	s1 =	rddreg [dreg:$0x1];
	_ =	strace $0x80000047;
	s5 =	sshrl.u32 s5, $0x3  }
0x8: {  	s31 =	ssub.s32 s3, s6;
	s6 =	simm.s32 $0x1;
	s4 =	sadd.s32 s5, s4  }
0x9: {  	v0 =	vimm.f32 $0.0e+00;
	v1 =	vimm.f32 $1.000000000e+00;
	s5 =	smax.u32 s31, $0x1;
	s3 =	sadd.s32 $0xCC00, s4;
	s4 =	sadd.s32 $0x16A00, s4  }
.LBB2_1:
0xa: {  	[tilespmem:s2], [sflag:$0x1] =	stream.linear.gather [hbm4b:s3+s2], $0x2780, $0x38;
	[tilespmem:$0x4F00] =	vst v63  }
0xb: {  	_ =	swait.ge [sflag:s6], $0x2780  }
0xc: {  	[sflag:s6] =	ssyncset.done $0x0  }
0xd: {  	s9 =	simm.s32 $0x0;
	[sflag:s6] =	ssyncadd.s32 $0xFFFFD880  }
.LBB2_2:
0xe: {  	p0 =	sne.s32 s9, $0x9C00  }
.Ltmp0:
0xf: {  	_ = 	snop;
	(pc) =	sbr.rel @p0 .LBB2_2-.Ltmp0, $3  }
0x10: {  	_ =	sdelay $0x1  }
0x11: {  	s10 =	sshra.s32 s9, $0x2  }
0x12: {  	s9 =	sadd.s32 $0x40, s9;
	[tilespmem:s10+$0x2780] =	vst v0  }
0x13: {  	s9 =	simm.s32 $0x0  }
.LBB2_4:
0x14: {  	s10 =	sshra.s32 s9, $0x2  }
0x15: {  	v2 =	vld [tilespmem:s10+$0x0];
	_ =	sdelay $0x7  }
0x16: {  	[tilespmem:v2+s7+$0x0] =	vst.idx.add.f32.msk $0xffff, v1  }
0x17: {  	v2 =	vld [tilespmem:s10+$0x10];
	_ =	sdelay $0x7  }
0x18: {  	[tilespmem:v2+s7+$0x0] =	vst.idx.add.f32.msk $0xffff, v1  }
0x19: {  	v2 =	vld [tilespmem:s10+$0x20];
	_ =	sdelay $0x7  }
0x1a: {  	[tilespmem:v2+s7+$0x0] =	vst.idx.add.f32.msk $0xffff, v1  }
0x1b: {  	v2 =	vld [tilespmem:s10+$0x30];
	_ =	sdelay $0x2  }
0x1c: {  	p0 =	sne.s32 s9, $0x9B00  }
.Ltmp1:
0x1d: {  	_ = 	snop;
	(pc) =	sbr.rel @p0 .LBB2_4-.Ltmp1, $2  }
0x1e: {  	_ =	sdelay $0x2  }
0x1f: {  	s9 =	sadd.s32 $0x100, s9;
	[tilespmem:v2+s7+$0x0] =	vst.idx.add.f32.msk $0xffff, v1  }
0x20: {  	s8 =	sadd.s32 $0x1, s8  }
0x21: {  	p0 =	sne.s32 s8, s5  }
.Ltmp2:
0x22: {  	_ = 	snop;
	(pc) =	sbr.rel @p0 .LBB2_1-.Ltmp2, $4  }
0x23: {  	[hbm4b:s4+s2] =	stream.linear.scatter [tilespmem:s7], [sflag:$0x1], $0x2780, $0x38;
	[tilespmem:$0x4F00] =	vst v63  }
0x24: {  	_ =	swait.ge [sflag:s6], $0x2780  }
0x25: {  	[sflag:s6] =	ssyncset.done $0x0  }
0x26: {  	[sflag:s6] =	ssyncadd.s32 $0xFFFFD880  }
0x27: {  	_ =	sfence.sel $0x180000  }
0x28: {  	[bflag:$0x0] =	sbarrier.arrive $0xFFFF  }
0x29: {  	p0 =	sne.s32 s0, $0x0;
	_ =	strace $0x90000047  }
0x2a: {  	s0 =	sadd.s32 @!p0 $0x100000, s1;
	[bflag:$0x2] =	sbarrier.arrive $0xFFFF  }
0x2b: {  	[sflag:s0] =	ssyncadd.tile.s32 @!p0 $0x1;
	_ =	shalt  }
.Lfunc_end2:
_tile_overlayer_lowered:
.L_overlay_start_2:
0x2c: {  	(tag) =	ssettag $0x2  }
0x2d: {  	s0 =	rddreg [dreg:$0x0];
	s2 =	stileid.u32  }
0x2e: {  	s1 =	rddreg [dreg:$0x1];
	p0 =	sne.s32 s2, $0x0  }
0x2f: {  	s3 =	rddreg [dreg:$0x2];
	[bflag:$0x3] =	sbarrier.arrive $0xFFFF;
	s2 =	simm.s32 @!p0 $0x1C01  }
0x30: {  	[timem:s3], [sflag:s2] =	dma.local @!p0 [hbm:s0], s1  }
0x31: {  	s0 =	simm.s32 @!p0 $0x1  }
0x32: {  	_ =	swait.ge @!p0 [sflag:s0], s1  }
0x33: {  	s1 =	ssub.s32 @!p0 $0x0, s1;
	[sflag:s0] =	ssyncset.done @!p0 $0x0  }
0x34: {  	[sflag:s0] =	ssyncadd.s32 @!p0 s1  }
0x35: {  	[bflag:$0x3] =	sbarrier.arrive $0xFFFF  }
0x36: {  	_ =	shalt  }

</sc_bundles>
